<compile_context>
chip_gen: v7x
topology: tpu7x:2x2x1
jax: 0.10.2.dev20260603
libtpu: 0.0.44.dev20260713+nightly
codegen_flags: <defaults>
</compile_context>

<pallas_src>
import functools

import jax
import jax.numpy as jnp
from jax import lax
from jax.experimental import pallas as pl
from jax.experimental.pallas import tpu as pltpu
from jax.experimental.pallas import tpu_sc as plsc

_NC = 2
_NS = 16
_NW = _NC * _NS
_L = 16


def _sc_lookup(idx, table, B, V, D):
    b_per_w = B // _NW
    n_vec = D // _L
    n_chunk = 8
    g_per_chunk = (b_per_w // _L) // n_chunk
    w_per_chunk = (b_per_w // n_chunk) * D

    mesh = plsc.VectorSubcoreMesh(core_axis_name="c", subcore_axis_name="s")

    @functools.partial(
        pl.kernel,
        mesh=mesh,
        compiler_params=pltpu.CompilerParams(needs_layout_passes=False),
        out_type=jax.ShapeDtypeStruct((B * D,), jnp.float32),
        scratch_types=[
            pltpu.VMEM((b_per_w,), jnp.int32),
            pltpu.VMEM((V * D,), jnp.float32),
            pltpu.VMEM((b_per_w * D,), jnp.float32),
            pltpu.SemaphoreType.DMA,
        ],
    )
    def k(idx_hbm, tab_hbm, out_hbm, idx_v, tab_v, buf, sem):
        wid = lax.axis_index("s") * _NC + lax.axis_index("c")
        base = wid * b_per_w
        pltpu.sync_copy(idx_hbm.at[pl.ds(base, b_per_w)], idx_v)
        pltpu.sync_copy(tab_hbm, tab_v)

        def chunk_body(ck, carry):
            @plsc.parallel_loop(0, g_per_chunk, unroll=1)
            def grp_loop(g):
                gg = ck * g_per_chunk + g
                idxv = idx_v[pl.ds(gg * _L, _L)]
                rows = [idxv[l] * D for l in range(_L)]
                for l in range(_L):
                    out_off = (gg * _L + l) * D
                    for q in range(n_vec):
                        buf[pl.ds(out_off + q * _L, _L)] = (
                            tab_v[pl.ds(rows[l] + q * _L, _L)])

            pltpu.async_copy(
                buf.at[pl.ds(ck * w_per_chunk, w_per_chunk)],
                out_hbm.at[pl.ds(base * D + ck * w_per_chunk, w_per_chunk)],
                sem,
            )
            return carry

        lax.fori_loop(0, n_chunk, chunk_body, 0)
        for ck in range(n_chunk):
            pltpu.make_async_copy(
                buf.at[pl.ds(ck * w_per_chunk, w_per_chunk)],
                out_hbm.at[pl.ds(base * D + ck * w_per_chunk, w_per_chunk)],
                sem,
            ).wait()

    return k(idx, table)


def kernel(inputs, table):
    B = inputs.shape[0]
    V, D = table.shape
    idx = inputs.astype(jnp.int32).reshape(B)
    out = _sc_lookup(idx, table.reshape(V * D), B, V, D)
    return out.reshape(B, D)

# --- scband reference (transcript-rebuilt; emitter-appended) ---
"""Pipeline reference for scband-custom-embedding-67723044323511 (READ-ONLY COPY).

The authoritative reference and input builder live on the scoring server;
editing this copy changes nothing except your own understanding.
"""

import jax, jax.numpy as jnp
import numpy as np

VOCAB = 10
OUTPUTSIZE = 128
BATCH = 16384

def setup_inputs(seed: int = 0) -> dict:
    key = jax.random.key(seed)
    k_idx, k_tab = jax.random.split(key)
    inputs = jax.random.randint(k_idx, (BATCH, 1), 0, VOCAB, dtype=jnp.int64 if jax.config.read('jax_enable_x64') else jnp.int32)
    # Keras Embedding default initializer is uniform(-0.05, 0.05)
    table = jax.random.uniform(k_tab, (VOCAB, OUTPUTSIZE), minval=-0.05, maxval=0.05, dtype=jnp.float32)
    return {"inputs": inputs, "table": table}

def reference(inputs, table):
    # Embedding lookup: [B, 1] -> [B, 1, D]
    x = jnp.take(table, inputs, axis=0)
    # tf.squeeze(x, axis=1): [B, 1, D] -> [B, D]
    return jnp.squeeze(x, axis=1)

if __name__ == "__main__":
    import jax
    _d = setup_inputs()
    print(jax.jit(kernel)(*tuple(_d.values())))

</pallas_src>

<mosaic_0001>
#map = affine_map<(d0, d1) -> (0)>
module attributes {stable_mosaic.version = 14 : i64} {
  func.func @k(%arg0: i32, %arg1: i32, %arg2: memref<16384xi32, #tpu.memory_space<hbm>>, %arg3: memref<1280xf32, #tpu.memory_space<hbm>>, %arg4: memref<2097152xf32, #tpu.memory_space<hbm>>, %arg5: memref<512xi32, #tpu.memory_space<vmem>>, %arg6: memref<1280xf32, #tpu.memory_space<vmem>>, %arg7: memref<65536xf32, #tpu.memory_space<vmem>>, %arg8: memref<!tpu.dma_semaphore, #tpu.memory_space<semaphore_mem>>) attributes {dimension_semantics = [#tpu.dimension_semantics<core_parallel>, #tpu.dimension_semantics<subcore_parallel>], iteration_bounds = array<i64: 2, 16>, scalar_prefetch = 0 : i64, scratch_operands = 4 : i64, tpu.core_type = #tpu.core_type<sc_vector_subcore>, window_params = [{transform_indices = #map}, {transform_indices = #map}, {transform_indices = #map}]} {
    %mul3A = arith.constant 2 : i32
    %mul3A_0 = arith.muli %arg1, %mul3A : i32
    %add3A = arith.addi %mul3A_0, %arg0 : i32
    %mul3A_1 = arith.constant 512 : i32
    %mul3A_2 = arith.muli %add3A, %mul3A_1 : i32
    "tpu.region"() ({
      %run_scoped3A = tpu.sem_alloc : memref<!tpu.dma_semaphore, #tpu.memory_space<semaphore_mem>>
      %dma_start3A = tpu.memref_slice %arg2[%mul3A_2] : memref<16384xi32, #tpu.memory_space<hbm>> -> memref<512xi32, #tpu.memory_space<hbm>>
      %dma_start3A_87 = tpu.memref_slice %arg2[%mul3A_2] : memref<16384xi32, #tpu.memory_space<hbm>> -> memref<512xi32, #tpu.memory_space<hbm>>
      tpu.enqueue_dma source(%dma_start3A_87 : memref<512xi32, #tpu.memory_space<hbm>>) target(%arg5 : memref<512xi32, #tpu.memory_space<vmem>>) target_semaphore(%run_scoped3A : memref<!tpu.dma_semaphore, #tpu.memory_space<semaphore_mem>>)
      %dma_wait3A_88 = tpu.memref_slice %arg2[%mul3A_2] : memref<16384xi32, #tpu.memory_space<hbm>> -> memref<512xi32, #tpu.memory_space<hbm>>
      %dma_wait3A_89 = tpu.memref_slice %arg2[%mul3A_2] : memref<16384xi32, #tpu.memory_space<hbm>> -> memref<512xi32, #tpu.memory_space<hbm>>
      tpu.wait_dma2 semaphore(%run_scoped3A : memref<!tpu.dma_semaphore, #tpu.memory_space<semaphore_mem>>) src(%dma_wait3A_89 : memref<512xi32, #tpu.memory_space<hbm>>) dst(%arg5 : memref<512xi32, #tpu.memory_space<vmem>>)
      tpu.yield
    }) : () -> ()
    "tpu.region"() ({
      %run_scoped3A = tpu.sem_alloc : memref<!tpu.dma_semaphore, #tpu.memory_space<semaphore_mem>>
      tpu.enqueue_dma source(%arg3 : memref<1280xf32, #tpu.memory_space<hbm>>) target(%arg6 : memref<1280xf32, #tpu.memory_space<vmem>>) target_semaphore(%run_scoped3A : memref<!tpu.dma_semaphore, #tpu.memory_space<semaphore_mem>>)
      tpu.wait_dma2 semaphore(%run_scoped3A : memref<!tpu.dma_semaphore, #tpu.memory_space<semaphore_mem>>) src(%arg3 : memref<1280xf32, #tpu.memory_space<hbm>>) dst(%arg6 : memref<1280xf32, #tpu.memory_space<vmem>>)
      tpu.yield
    }) : () -> ()
    %scan3A = arith.constant 0 : i32
    %scan3A_3 = arith.constant 0 : i32
    %scan3A_4 = arith.constant 8 : i32
    %scan3A_5 = arith.addi %scan3A_3, %scan3A_4 : i32
    %scan3A_6 = arith.constant 1 : i32
    scf.for %scan3A_87 = %scan3A_3 to %scan3A_5 step %scan3A_6  : i32 {
      %parallel_loop3A = arith.constant 0 : i32
      %parallel_loop3A_88 = arith.constant 4 : i32
      %parallel_loop3A_89 = arith.constant 1 : i32
      scf.for %parallel_loop3A_100 = %parallel_loop3A to %parallel_loop3A_88 step %parallel_loop3A_89  : i32 {
        %parallel_loop3A_101 = arith.constant 4 : i32
        %parallel_loop3A_102 = arith.muli %scan3A_87, %parallel_loop3A_101 : i32
        %parallel_loop3A_103 = arith.addi %parallel_loop3A_102, %parallel_loop3A_100 : i32
        %parallel_loop3A_104 = arith.constant 16 : i32
        %parallel_loop3A_105 = arith.muli %parallel_loop3A_103, %parallel_loop3A_104 : i32
        %parallel_loop3A_106 = arith.index_cast %parallel_loop3A_105 : i32 to index
        %parallel_loop3A_107 = tpu.vector_load %arg5[%parallel_loop3A_106] {strides = array<i32>} : memref<512xi32, #tpu.memory_space<vmem>>, vector<16xi32>,
        %parallel_loop3A_108 = vector.extract_strided_slice %parallel_loop3A_107 {offsets = [0], sizes = [1], strides = [1]} : vector<16xi32> to vector<1xi32>
        %parallel_loop3A_109 = vector.extract %parallel_loop3A_108[0] : i32 from vector<1xi32>
        %parallel_loop3A_110 = arith.constant 128 : i32
        %parallel_loop3A_111 = arith.muli %parallel_loop3A_109, %parallel_loop3A_110 : i32
        %parallel_loop3A_112 = vector.extract_strided_slice %parallel_loop3A_107 {offsets = [1], sizes = [1], strides = [1]} : vector<16xi32> to vector<1xi32>
        %parallel_loop3A_113 = vector.extract %parallel_loop3A_112[0] : i32 from vector<1xi32>
        %parallel_loop3A_114 = arith.constant 128 : i32
        %parallel_loop3A_115 = arith.muli %parallel_loop3A_113, %parallel_loop3A_114 : i32
        %parallel_loop3A_116 = vector.extract_strided_slice %parallel_loop3A_107 {offsets = [2], sizes = [1], strides = [1]} : vector<16xi32> to vector<1xi32>
        %parallel_loop3A_117 = vector.extract %parallel_loop3A_116[0] : i32 from vector<1xi32>
        %parallel_loop3A_118 = arith.constant 128 : i32
        %parallel_loop3A_119 = arith.muli %parallel_loop3A_117, %parallel_loop3A_118 : i32
        %parallel_loop3A_120 = vector.extract_strided_slice %parallel_loop3A_107 {offsets = [3], sizes = [1], strides = [1]} : vector<16xi32> to vector<1xi32>
        %parallel_loop3A_121 = vector.extract %parallel_loop3A_120[0] : i32 from vector<1xi32>
        %parallel_loop3A_122 = arith.constant 128 : i32
        %parallel_loop3A_123 = arith.muli %parallel_loop3A_121, %parallel_loop3A_122 : i32
        %parallel_loop3A_124 = vector.extract_strided_slice %parallel_loop3A_107 {offsets = [4], sizes = [1], strides = [1]} : vector<16xi32> to vector<1xi32>
        %parallel_loop3A_125 = vector.extract %parallel_loop3A_124[0] : i32 from vector<1xi32>
        %parallel_loop3A_126 = arith.constant 128 : i32
        %parallel_loop3A_127 = arith.muli %parallel_loop3A_125, %parallel_loop3A_126 : i32
        %parallel_loop3A_128 = vector.extract_strided_slice %parallel_loop3A_107 {offsets = [5], sizes = [1], strides = [1]} : vector<16xi32> to vector<1xi32>
        %parallel_loop3A_129 = vector.extract %parallel_loop3A_128[0] : i32 from vector<1xi32>
        %parallel_loop3A_130 = arith.constant 128 : i32
        %parallel_loop3A_131 = arith.muli %parallel_loop3A_129, %parallel_loop3A_130 : i32
        %parallel_loop3A_132 = vector.extract_strided_slice %parallel_loop3A_107 {offsets = [6], sizes = [1], strides = [1]} : vector<16xi32> to vector<1xi32>
        %parallel_loop3A_133 = vector.extract %parallel_loop3A_132[0] : i32 from vector<1xi32>
        %parallel_loop3A_134 = arith.constant 128 : i32
        %parallel_loop3A_135 = arith.muli %parallel_loop3A_133, %parallel_loop3A_134 : i32
        %parallel_loop3A_136 = vector.extract_strided_slice %parallel_loop3A_107 {offsets = [7], sizes = [1], strides = [1]} : vector<16xi32> to vector<1xi32>
        %parallel_loop3A_137 = vector.extract %parallel_loop3A_136[0] : i32 from vector<1xi32>
        %parallel_loop3A_138 = arith.constant 128 : i32
        %parallel_loop3A_139 = arith.muli %parallel_loop3A_137, %parallel_loop3A_138 : i32
        %parallel_loop3A_140 = vector.extract_strided_slice %parallel_loop3A_107 {offsets = [8], sizes = [1], strides = [1]} : vector<16xi32> to vector<1xi32>
        %parallel_loop3A_141 = vector.extract %parallel_loop3A_140[0] : i32 from vector<1xi32>
        %parallel_loop3A_142 = arith.constant 128 : i32
        %parallel_loop3A_143 = arith.muli %parallel_loop3A_141, %parallel_loop3A_142 : i32
        %parallel_loop3A_144 = vector.extract_strided_slice %parallel_loop3A_107 {offsets = [9], sizes = [1], strides = [1]} : vector<16xi32> to vector<1xi32>
        %parallel_loop3A_145 = vector.extract %parallel_loop3A_144[0] : i32 from vector<1xi32>
        %parallel_loop3A_146 = arith.constant 128 : i32
        %parallel_loop3A_147 = arith.muli %parallel_loop3A_145, %parallel_loop3A_146 : i32
        %parallel_loop3A_148 = vector.extract_strided_slice %parallel_loop3A_107 {offsets = [10], sizes = [1], strides = [1]} : vector<16xi32> to vector<1xi32>
        %parallel_loop3A_149 = vector.extract %parallel_loop3A_148[0] : i32 from vector<1xi32>
        %parallel_loop3A_150 = arith.constant 128 : i32
        %parallel_loop3A_151 = arith.muli %parallel_loop3A_149, %parallel_loop3A_150 : i32
        %parallel_loop3A_152 = vector.extract_strided_slice %parallel_loop3A_107 {offsets = [11], sizes = [1], strides = [1]} : vector<16xi32> to vector<1xi32>
        %parallel_loop3A_153 = vector.extract %parallel_loop3A_152[0] : i32 from vector<1xi32>
        %parallel_loop3A_154 = arith.constant 128 : i32
        %parallel_loop3A_155 = arith.muli %parallel_loop3A_153, %parallel_loop3A_154 : i32
        %parallel_loop3A_156 = vector.extract_strided_slice %parallel_loop3A_107 {offsets = [12], sizes = [1], strides = [1]} : vector<16xi32> to vector<1xi32>
        %parallel_loop3A_157 = vector.extract %parallel_loop3A_156[0] : i32 from vector<1xi32>
        %parallel_loop3A_158 = arith.constant 128 : i32
        %parallel_loop3A_159 = arith.muli %parallel_loop3A_157, %parallel_loop3A_158 : i32
        %parallel_loop3A_160 = vector.extract_strided_slice %parallel_loop3A_107 {offsets = [13], sizes = [1], strides = [1]} : vector<16xi32> to vector<1xi32>
        %parallel_loop3A_161 = vector.extract %parallel_loop3A_160[0] : i32 from vector<1xi32>
        %parallel_loop3A_162 = arith.constant 128 : i32
        %parallel_loop3A_163 = arith.muli %parallel_loop3A_161, %parallel_loop3A_162 : i32
        %parallel_loop3A_164 = vector.extract_strided_slice %parallel_loop3A_107 {offsets = [14], sizes = [1], strides = [1]} : vector<16xi32> to vector<1xi32>
        %parallel_loop3A_165 = vector.extract %parallel_loop3A_164[0] : i32 from vector<1xi32>
        %parallel_loop3A_166 = arith.constant 128 : i32
        %parallel_loop3A_167 = arith.muli %parallel_loop3A_165, %parallel_loop3A_166 : i32
        %parallel_loop3A_168 = vector.extract_strided_slice %parallel_loop3A_107 {offsets = [15], sizes = [1], strides = [1]} : vector<16xi32> to vector<1xi32>
        %parallel_loop3A_169 = vector.extract %parallel_loop3A_168[0] : i32 from vector<1xi32>
        %parallel_loop3A_170 = arith.constant 128 : i32
        %parallel_loop3A_171 = arith.muli %parallel_loop3A_169, %parallel_loop3A_170 : i32
        %parallel_loop3A_172 = arith.constant 16 : i32
        %parallel_loop3A_173 = arith.muli %parallel_loop3A_103, %parallel_loop3A_172 : i32
        %parallel_loop3A_174 = arith.constant 0 : i32
        %parallel_loop3A_175 = arith.addi %parallel_loop3A_173, %parallel_loop3A_174 : i32
        %parallel_loop3A_176 = arith.constant 128 : i32
        %parallel_loop3A_177 = arith.muli %parallel_loop3A_175, %parallel_loop3A_176 : i32
        %parallel_loop3A_178 = arith.constant 0 : i32
        %parallel_loop3A_179 = arith.addi %parallel_loop3A_111, %parallel_loop3A_178 : i32
        %parallel_loop3A_180 = arith.index_cast %parallel_loop3A_179 : i32 to index
        %parallel_loop3A_181 = tpu.vector_load %arg6[%parallel_loop3A_180] {strides = array<i32>} : memref<1280xf32, #tpu.memory_space<vmem>>, vector<16xf32>,
        %parallel_loop3A_182 = arith.constant 0 : i32
        %parallel_loop3A_183 = arith.addi %parallel_loop3A_177, %parallel_loop3A_182 : i32
        %parallel_loop3A_184 = arith.index_cast %parallel_loop3A_183 : i32 to index
        %parallel_loop3A_185 = tpu.vector_load %arg7[%parallel_loop3A_184] {strides = array<i32>} : memref<65536xf32, #tpu.memory_space<vmem>>, vector<16xf32>,
        tpu.vector_store %arg7[%parallel_loop3A_184], %parallel_loop3A_181 {strides = array<i32>} : memref<65536xf32, #tpu.memory_space<vmem>>, vector<16xf32>,
        %parallel_loop3A_186 = arith.constant 16 : i32
        %parallel_loop3A_187 = arith.addi %parallel_loop3A_111, %parallel_loop3A_186 : i32
        %parallel_loop3A_188 = arith.index_cast %parallel_loop3A_187 : i32 to index
        %parallel_loop3A_189 = tpu.vector_load %arg6[%parallel_loop3A_188] {strides = array<i32>} : memref<1280xf32, #tpu.memory_space<vmem>>, vector<16xf32>,
        %parallel_loop3A_190 = arith.constant 16 : i32
        %parallel_loop3A_191 = arith.addi %parallel_loop3A_177, %parallel_loop3A_190 : i32
        %parallel_loop3A_192 = arith.index_cast %parallel_loop3A_191 : i32 to index
        %parallel_loop3A_193 = tpu.vector_load %arg7[%parallel_loop3A_192] {strides = array<i32>} : memref<65536xf32, #tpu.memory_space<vmem>>, vector<16xf32>,
        tpu.vector_store %arg7[%parallel_loop3A_192], %parallel_loop3A_189 {strides = array<i32>} : memref<65536xf32, #tpu.memory_space<vmem>>, vector<16xf32>,
        %parallel_loop3A_194 = arith.constant 32 : i32
        %parallel_loop3A_195 = arith.addi %parallel_loop3A_111, %parallel_loop3A_194 : i32
        %parallel_loop3A_196 = arith.index_cast %parallel_loop3A_195 : i32 to index
        %parallel_loop3A_197 = tpu.vector_load %arg6[%parallel_loop3A_196] {strides = array<i32>} : memref<1280xf32, #tpu.memory_space<vmem>>, vector<16xf32>,
        %parallel_loop3A_198 = arith.constant 32 : i32
        %parallel_loop3A_199 = arith.addi %parallel_loop3A_177, %parallel_loop3A_198 : i32
        %parallel_loop3A_200 = arith.index_cast %parallel_loop3A_199 : i32 to index
        %parallel_loop3A_201 = tpu.vector_load %arg7[%parallel_loop3A_200] {strides = array<i32>} : memref<65536xf32, #tpu.memory_space<vmem>>, vector<16xf32>,
        tpu.vector_store %arg7[%parallel_loop3A_200], %parallel_loop3A_197 {strides = array<i32>} : memref<65536xf32, #tpu.memory_space<vmem>>, vector<16xf32>,
        %parallel_loop3A_202 = arith.constant 48 : i32
        %parallel_loop3A_203 = arith.addi %parallel_loop3A_111, %parallel_loop3A_202 : i32
        %parallel_loop3A_204 = arith.index_cast %parallel_loop3A_203 : i32 to index
        %parallel_loop3A_205 = tpu.vector_load %arg6[%parallel_loop3A_204] {strides = array<i32>} : memref<1280xf32, #tpu.memory_space<vmem>>, vector<16xf32>,
        %parallel_loop3A_206 = arith.constant 48 : i32
        %parallel_loop3A_207 = arith.addi %parallel_loop3A_177, %parallel_loop3A_206 : i32
        %parallel_loop3A_208 = arith.index_cast %parallel_loop3A_207 : i32 to index
        %parallel_loop3A_209 = tpu.vector_load %arg7[%parallel_loop3A_208] {strides = array<i32>} : memref<65536xf32, #tpu.memory_space<vmem>>, vector<16xf32>,
        tpu.vector_store %arg7[%parallel_loop3A_208], %parallel_loop3A_205 {strides = array<i32>} : memref<65536xf32, #tpu.memory_space<vmem>>, vector<16xf32>,
        %parallel_loop3A_210 = arith.constant 64 : i32
        %parallel_loop3A_211 = arith.addi %parallel_loop3A_111, %parallel_loop3A_210 : i32
        %parallel_loop3A_212 = arith.index_cast %parallel_loop3A_211 : i32 to index
        %parallel_loop3A_213 = tpu.vector_load %arg6[%parallel_loop3A_212] {strides = array<i32>} : memref<1280xf32, #tpu.memory_space<vmem>>, vector<16xf32>,
        %parallel_loop3A_214 = arith.constant 64 : i32
        %parallel_loop3A_215 = arith.addi %parallel_loop3A_177, %parallel_loop3A_214 : i32
        %parallel_loop3A_216 = arith.index_cast %parallel_loop3A_215 : i32 to index
        %parallel_loop3A_217 = tpu.vector_load %arg7[%parallel_loop3A_216] {strides = array<i32>} : memref<65536xf32, #tpu.memory_space<vmem>>, vector<16xf32>,
        tpu.vector_store %arg7[%parallel_loop3A_216], %parallel_loop3A_213 {strides = array<i32>} : memref<65536xf32, #tpu.memory_space<vmem>>, vector<16xf32>,
        %parallel_loop3A_218 = arith.constant 80 : i32
        %parallel_loop3A_219 = arith.addi %parallel_loop3A_111, %parallel_loop3A_218 : i32
        %parallel_loop3A_220 = arith.index_cast %parallel_loop3A_219 : i32 to index
        %parallel_loop3A_221 = tpu.vector_load %arg6[%parallel_loop3A_220] {strides = array<i32>} : memref<1280xf32, #tpu.memory_space<vmem>>, vector<16xf32>,
        %parallel_loop3A_222 = arith.constant 80 : i32
        %parallel_loop3A_223 = arith.addi %parallel_loop3A_177, %parallel_loop3A_222 : i32
        %parallel_loop3A_224 = arith.index_cast %parallel_loop3A_223 : i32 to index
        %parallel_loop3A_225 = tpu.vector_load %arg7[%parallel_loop3A_224] {strides = array<i32>} : memref<65536xf32, #tpu.memory_space<vmem>>, vector<16xf32>,
        tpu.vector_store %arg7[%parallel_loop3A_224], %parallel_loop3A_221 {strides = array<i32>} : memref<65536xf32, #tpu.memory_space<vmem>>, vector<16xf32>,
        %parallel_loop3A_226 = arith.constant 96 : i32
        %parallel_loop3A_227 = arith.addi %parallel_loop3A_111, %parallel_loop3A_226 : i32
        %parallel_loop3A_228 = arith.index_cast %parallel_loop3A_227 : i32 to index
        %parallel_loop3A_229 = tpu.vector_load %arg6[%parallel_loop3A_228] {strides = array<i32>} : memref<1280xf32, #tpu.memory_space<vmem>>, vector<16xf32>,
        %parallel_loop3A_230 = arith.constant 96 : i32
        %parallel_loop3A_231 = arith.addi %parallel_loop3A_177, %parallel_loop3A_230 : i32
        %parallel_loop3A_232 = arith.index_cast %parallel_loop3A_231 : i32 to index
        %parallel_loop3A_233 = tpu.vector_load %arg7[%parallel_loop3A_232] {strides = array<i32>} : memref<65536xf32, #tpu.memory_space<vmem>>, vector<16xf32>,
        tpu.vector_store %arg7[%parallel_loop3A_232], %parallel_loop3A_229 {strides = array<i32>} : memref<65536xf32, #tpu.memory_space<vmem>>, vector<16xf32>,
        %parallel_loop3A_234 = arith.constant 112 : i32
        %parallel_loop3A_235 = arith.addi %parallel_loop3A_111, %parallel_loop3A_234 : i32
        %parallel_loop3A_236 = arith.index_cast %parallel_loop3A_235 : i32 to index
        %parallel_loop3A_237 = tpu.vector_load %arg6[%parallel_loop3A_236] {strides = array<i32>} : memref<1280xf32, #tpu.memory_space<vmem>>, vector<16xf32>,
        %parallel_loop3A_238 = arith.constant 112 : i32
        %parallel_loop3A_239 = arith.addi %parallel_loop3A_177, %parallel_loop3A_238 : i32
        %parallel_loop3A_240 = arith.index_cast %parallel_loop3A_239 : i32 to index
        %parallel_loop3A_241 = tpu.vector_load %arg7[%parallel_loop3A_240] {strides = array<i32>} : memref<65536xf32, #tpu.memory_space<vmem>>, vector<16xf32>,
        tpu.vector_store %arg7[%parallel_loop3A_240], %parallel_loop3A_237 {strides = array<i32>} : memref<65536xf32, #tpu.memory_space<vmem>>, vector<16xf32>,
        %parallel_loop3A_242 = arith.constant 16 : i32
        %parallel_loop3A_243 = arith.muli %parallel_loop3A_103, %parallel_loop3A_242 : i32
        %parallel_loop3A_244 = arith.constant 1 : i32
        %parallel_loop3A_245 = arith.addi %parallel_loop3A_243, %parallel_loop3A_244 : i32
        %parallel_loop3A_246 = arith.constant 128 : i32
        %parallel_loop3A_247 = arith.muli %parallel_loop3A_245, %parallel_loop3A_246 : i32
        %parallel_loop3A_248 = arith.constant 0 : i32
        %parallel_loop3A_249 = arith.addi %parallel_loop3A_115, %parallel_loop3A_248 : i32
        %parallel_loop3A_250 = arith.index_cast %parallel_loop3A_249 : i32 to index
        %parallel_loop3A_251 = tpu.vector_load %arg6[%parallel_loop3A_250] {strides = array<i32>} : memref<1280xf32, #tpu.memory_space<vmem>>, vector<16xf32>,
        %parallel_loop3A_252 = arith.constant 0 : i32
        %parallel_loop3A_253 = arith.addi %parallel_loop3A_247, %parallel_loop3A_252 : i32
        %parallel_loop3A_254 = arith.index_cast %parallel_loop3A_253 : i32 to index
        %parallel_loop3A_255 = tpu.vector_load %arg7[%parallel_loop3A_254] {strides = array<i32>} : memref<65536xf32, #tpu.memory_space<vmem>>, vector<16xf32>,
        tpu.vector_store %arg7[%parallel_loop3A_254], %parallel_loop3A_251 {strides = array<i32>} : memref<65536xf32, #tpu.memory_space<vmem>>, vector<16xf32>,
        %parallel_loop3A_256 = arith.constant 16 : i32
        %parallel_loop3A_257 = arith.addi %parallel_loop3A_115, %parallel_loop3A_256 : i32
        %parallel_loop3A_258 = arith.index_cast %parallel_loop3A_257 : i32 to index
        %parallel_loop3A_259 = tpu.vector_load %arg6[%parallel_loop3A_258] {strides = array<i32>} : memref<1280xf32, #tpu.memory_space<vmem>>, vector<16xf32>,
        %parallel_loop3A_260 = arith.constant 16 : i32
        %parallel_loop3A_261 = arith.addi %parallel_loop3A_247, %parallel_loop3A_260 : i32
        %parallel_loop3A_262 = arith.index_cast %parallel_loop3A_261 : i32 to index
        %parallel_loop3A_263 = tpu.vector_load %arg7[%parallel_loop3A_262] {strides = array<i32>} : memref<65536xf32, #tpu.memory_space<vmem>>, vector<16xf32>,
        tpu.vector_store %arg7[%parallel_loop3A_262], %parallel_loop3A_259 {strides = array<i32>} : memref<65536xf32, #tpu.memory_space<vmem>>, vector<16xf32>,
        %parallel_loop3A_264 = arith.constant 32 : i32
        %parallel_loop3A_265 = arith.addi %parallel_loop3A_115, %parallel_loop3A_264 : i32
        %parallel_loop3A_266 = arith.index_cast %parallel_loop3A_265 : i32 to index
        %parallel_loop3A_267 = tpu.vector_load %arg6[%parallel_loop3A_266] {strides = array<i32>} : memref<1280xf32, #tpu.memory_space<vmem>>, vector<16xf32>,
        %parallel_loop3A_268 = arith.constant 32 : i32
        %parallel_loop3A_269 = arith.addi %parallel_loop3A_247, %parallel_loop3A_268 : i32
        %parallel_loop3A_270 = arith.index_cast %parallel_loop3A_269 : i32 to index
        %parallel_loop3A_271 = tpu.vector_load %arg7[%parallel_loop3A_270] {strides = array<i32>} : memref<65536xf32, #tpu.memory_space<vmem>>, vector<16xf32>,
        tpu.vector_store %arg7[%parallel_loop3A_270], %parallel_loop3A_267 {strides = array<i32>} : memref<65536xf32, #tpu.memory_space<vmem>>, vector<16xf32>,
        %parallel_loop3A_272 = arith.constant 48 : i32
        %parallel_loop3A_273 = arith.addi %parallel_loop3A_115, %parallel_loop3A_272 : i32
        %parallel_loop3A_274 = arith.index_cast %parallel_loop3A_273 : i32 to index
        %parallel_loop3A_275 = tpu.vector_load %arg6[%parallel_loop3A_274] {strides = array<i32>} : memref<1280xf32, #tpu.memory_space<vmem>>, vector<16xf32>,
        %parallel_loop3A_276 = arith.constant 48 : i32
        %parallel_loop3A_277 = arith.addi %parallel_loop3A_247, %parallel_loop3A_276 : i32
        %parallel_loop3A_278 = arith.index_cast %parallel_loop3A_277 : i32 to index
        %parallel_loop3A_279 = tpu.vector_load %arg7[%parallel_loop3A_278] {strides = array<i32>} : memref<65536xf32, #tpu.memory_space<vmem>>, vector<16xf32>,
        tpu.vector_store %arg7[%parallel_loop3A_278], %parallel_loop3A_275 {strides = array<i32>} : memref<65536xf32, #tpu.memory_space<vmem>>, vector<16xf32>,
        %parallel_loop3A_280 = arith.constant 64 : i32
        %parallel_loop3A_281 = arith.addi %parallel_loop3A_115, %parallel_loop3A_280 : i32
        %parallel_loop3A_282 = arith.index_cast %parallel_loop3A_281 : i32 to index
        %parallel_loop3A_283 = tpu.vector_load %arg6[%parallel_loop3A_282] {strides = array<i32>} : memref<1280xf32, #tpu.memory_space<vmem>>, vector<16xf32>,
        %parallel_loop3A_284 = arith.constant 64 : i32
        %parallel_loop3A_285 = arith.addi %parallel_loop3A_247, %parallel_loop3A_284 : i32
        %parallel_loop3A_286 = arith.index_cast %parallel_loop3A_285 : i32 to index
        %parallel_loop3A_287 = tpu.vector_load %arg7[%parallel_loop3A_286] {strides = array<i32>} : memref<65536xf32, #tpu.memory_space<vmem>>, vector<16xf32>,
        tpu.vector_store %arg7[%parallel_loop3A_286], %parallel_loop3A_283 {strides = array<i32>} : memref<65536xf32, #tpu.memory_space<vmem>>, vector<16xf32>,
        %parallel_loop3A_288 = arith.constant 80 : i32
        %parallel_loop3A_289 = arith.addi %parallel_loop3A_115, %parallel_loop3A_288 : i32
        %parallel_loop3A_290 = arith.index_cast %parallel_loop3A_289 : i32 to index
        %parallel_loop3A_291 = tpu.vector_load %arg6[%parallel_loop3A_290] {strides = array<i32>} : memref<1280xf32, #tpu.memory_space<vmem>>, vector<16xf32>,
        %parallel_loop3A_292 = arith.constant 80 : i32
        %parallel_loop3A_293 = arith.addi %parallel_loop3A_247, %parallel_loop3A_292 : i32
        %parallel_loop3A_294 = arith.index_cast %parallel_loop3A_293 : i32 to index
        %parallel_loop3A_295 = tpu.vector_load %arg7[%parallel_loop3A_294] {strides = array<i32>} : memref<65536xf32, #tpu.memory_space<vmem>>, vector<16xf32>,
        tpu.vector_store %arg7[%parallel_loop3A_294], %parallel_loop3A_291 {strides = array<i32>} : memref<65536xf32, #tpu.memory_space<vmem>>, vector<16xf32>,
        %parallel_loop3A_296 = arith.constant 96 : i32
        %parallel_loop3A_297 = arith.addi %parallel_loop3A_115, %parallel_loop3A_296 : i32
        %parallel_loop3A_298 = arith.index_cast %parallel_loop3A_297 : i32 to index
        %parallel_loop3A_299 = tpu.vector_load %arg6[%parallel_loop3A_298] {strides = array<i32>} : memref<1280xf32, #tpu.memory_space<vmem>>, vector<16xf32>,
        %parallel_loop3A_300 = arith.constant 96 : i32
        %parallel_loop3A_301 = arith.addi %parallel_loop3A_247, %parallel_loop3A_300 : i32
        %parallel_loop3A_302 = arith.index_cast %parallel_loop3A_301 : i32 to index
        %parallel_loop3A_303 = tpu.vector_load %arg7[%parallel_loop3A_302] {strides = array<i32>} : memref<65536xf32, #tpu.memory_space<vmem>>, vector<16xf32>,
        tpu.vector_store %arg7[%parallel_loop3A_302], %parallel_loop3A_299 {strides = array<i32>} : memref<65536xf32, #tpu.memory_space<vmem>>, vector<16xf32>,
        %parallel_loop3A_304 = arith.constant 112 : i32
        %parallel_loop3A_305 = arith.addi %parallel_loop3A_115, %parallel_loop3A_304 : i32
        %parallel_loop3A_306 = arith.index_cast %parallel_loop3A_305 : i32 to index
        %parallel_loop3A_307 = tpu.vector_load %arg6[%parallel_loop3A_306] {strides = array<i32>} : memref<1280xf32, #tpu.memory_space<vmem>>, vector<16xf32>,
        %parallel_loop3A_308 = arith.constant 112 : i32
        %parallel_loop3A_309 = arith.addi %parallel_loop3A_247, %parallel_loop3A_308 : i32
        %parallel_loop3A_310 = arith.index_cast %parallel_loop3A_309 : i32 to index
        %parallel_loop3A_311 = tpu.vector_load %arg7[%parallel_loop3A_310] {strides = array<i32>} : memref<65536xf32, #tpu.memory_space<vmem>>, vector<16xf32>,
        tpu.vector_store %arg7[%parallel_loop3A_310], %parallel_loop3A_307 {strides = array<i32>} : memref<65536xf32, #tpu.memory_space<vmem>>, vector<16xf32>,
        %parallel_loop3A_312 = arith.constant 16 : i32
        %parallel_loop3A_313 = arith.muli %parallel_loop3A_103, %parallel_loop3A_312 : i32
        %parallel_loop3A_314 = arith.constant 2 : i32
        %parallel_loop3A_315 = arith.addi %parallel_loop3A_313, %parallel_loop3A_314 : i32
        %parallel_loop3A_316 = arith.constant 128 : i32
        %parallel_loop3A_317 = arith.muli %parallel_loop3A_315, %parallel_loop3A_316 : i32
        %parallel_loop3A_318 = arith.constant 0 : i32
        %parallel_loop3A_319 = arith.addi %parallel_loop3A_119, %parallel_loop3A_318 : i32
        %parallel_loop3A_320 = arith.index_cast %parallel_loop3A_319 : i32 to index
        %parallel_loop3A_321 = tpu.vector_load %arg6[%parallel_loop3A_320] {strides = array<i32>} : memref<1280xf32, #tpu.memory_space<vmem>>, vector<16xf32>,
        %parallel_loop3A_322 = arith.constant 0 : i32
        %parallel_loop3A_323 = arith.addi %parallel_loop3A_317, %parallel_loop3A_322 : i32
        %parallel_loop3A_324 = arith.index_cast %parallel_loop3A_323 : i32 to index
        %parallel_loop3A_325 = tpu.vector_load %arg7[%parallel_loop3A_324] {strides = array<i32>} : memref<65536xf32, #tpu.memory_space<vmem>>, vector<16xf32>,
        tpu.vector_store %arg7[%parallel_loop3A_324], %parallel_loop3A_321 {strides = array<i32>} : memref<65536xf32, #tpu.memory_space<vmem>>, vector<16xf32>,
        %parallel_loop3A_326 = arith.constant 16 : i32
        %parallel_loop3A_327 = arith.addi %parallel_loop3A_119, %parallel_loop3A_326 : i32
        %parallel_loop3A_328 = arith.index_cast %parallel_loop3A_327 : i32 to index
        %parallel_loop3A_329 = tpu.vector_load %arg6[%parallel_loop3A_328] {strides = array<i32>} : memref<1280xf32, #tpu.memory_space<vmem>>, vector<16xf32>,
        %parallel_loop3A_330 = arith.constant 16 : i32
        %parallel_loop3A_331 = arith.addi %parallel_loop3A_317, %parallel_loop3A_330 : i32
        %parallel_loop3A_332 = arith.index_cast %parallel_loop3A_331 : i32 to index
        %parallel_loop3A_333 = tpu.vector_load %arg7[%parallel_loop3A_332] {strides = array<i32>} : memref<65536xf32, #tpu.memory_space<vmem>>, vector<16xf32>,
        tpu.vector_store %arg7[%parallel_loop3A_332], %parallel_loop3A_329 {strides = array<i32>} : memref<65536xf32, #tpu.memory_space<vmem>>, vector<16xf32>,
        %parallel_loop3A_334 = arith.constant 32 : i32
        %parallel_loop3A_335 = arith.addi %parallel_loop3A_119, %parallel_loop3A_334 : i32
        %parallel_loop3A_336 = arith.index_cast %parallel_loop3A_335 : i32 to index
        %parallel_loop3A_337 = tpu.vector_load %arg6[%parallel_loop3A_336] {strides = array<i32>} : memref<1280xf32, #tpu.memory_space<vmem>>, vector<16xf32>,
        %parallel_loop3A_338 = arith.constant 32 : i32
        %parallel_loop3A_339 = arith.addi %parallel_loop3A_317, %parallel_loop3A_338 : i32
        %parallel_loop3A_340 = arith.index_cast %parallel_loop3A_339 : i32 to index
        %parallel_loop3A_341 = tpu.vector_load %arg7[%parallel_loop3A_340] {strides = array<i32>} : memref<65536xf32, #tpu.memory_space<vmem>>, vector<16xf32>,
        tpu.vector_store %arg7[%parallel_loop3A_340], %parallel_loop3A_337 {strides = array<i32>} : memref<65536xf32, #tpu.memory_space<vmem>>, vector<16xf32>,
        %parallel_loop3A_342 = arith.constant 48 : i32
        %parallel_loop3A_343 = arith.addi %parallel_loop3A_119, %parallel_loop3A_342 : i32
        %parallel_loop3A_344 = arith.index_cast %parallel_loop3A_343 : i32 to index
        %parallel_loop3A_345 = tpu.vector_load %arg6[%parallel_loop3A_344] {strides = array<i32>} : memref<1280xf32, #tpu.memory_space<vmem>>, vector<16xf32>,
        %parallel_loop3A_346 = arith.constant 48 : i32
        %parallel_loop3A_347 = arith.addi %parallel_loop3A_317, %parallel_loop3A_346 : i32
        %parallel_loop3A_348 = arith.index_cast %parallel_loop3A_347 : i32 to index
        %parallel_loop3A_349 = tpu.vector_load %arg7[%parallel_loop3A_348] {strides = array<i32>} : memref<65536xf32, #tpu.memory_space<vmem>>, vector<16xf32>,
        tpu.vector_store %arg7[%parallel_loop3A_348], %parallel_loop3A_345 {strides = array<i32>} : memref<65536xf32, #tpu.memory_space<vmem>>, vector<16xf32>,
        %parallel_loop3A_350 = arith.constant 64 : i32
        %parallel_loop3A_351 = arith.addi %parallel_loop3A_119, %parallel_loop3A_350 : i32
        %parallel_loop3A_352 = arith.index_cast %parallel_loop3A_351 : i32 to index
        %parallel_loop3A_353 = tpu.vector_load %arg6[%parallel_loop3A_352] {strides = array<i32>} : memref<1280xf32, #tpu.memory_space<vmem>>, vector<16xf32>,
        %parallel_loop3A_354 = arith.constant 64 : i32
        %parallel_loop3A_355 = arith.addi %parallel_loop3A_317, %parallel_loop3A_354 : i32
        %parallel_loop3A_356 = arith.index_cast %parallel_loop3A_355 : i32 to index
        %parallel_loop3A_357 = tpu.vector_load %arg7[%parallel_loop3A_356] {strides = array<i32>} : memref<65536xf32, #tpu.memory_space<vmem>>, vector<16xf32>,
        tpu.vector_store %arg7[%parallel_loop3A_356], %parallel_loop3A_353 {strides = array<i32>} : memref<65536xf32, #tpu.memory_space<vmem>>, vector<16xf32>,
        %parallel_loop3A_358 = arith.constant 80 : i32
        %parallel_loop3A_359 = arith.addi %parallel_loop3A_119, %parallel_loop3A_358 : i32
        %parallel_loop3A_360 = arith.index_cast %parallel_loop3A_359 : i32 to index
        %parallel_loop3A_361 = tpu.vector_load %arg6[%parallel_loop3A_360] {strides = array<i32>} : memref<1280xf32, #tpu.memory_space<vmem>>, vector<16xf32>,
        %parallel_loop3A_362 = arith.constant 80 : i32
        %parallel_loop3A_363 = arith.addi %parallel_loop3A_317, %parallel_loop3A_362 : i32
        %parallel_loop3A_364 = arith.index_cast %parallel_loop3A_363 : i32 to index
        %parallel_loop3A_365 = tpu.vector_load %arg7[%parallel_loop3A_364] {strides = array<i32>} : memref<65536xf32, #tpu.memory_space<vmem>>, vector<16xf32>,
        tpu.vector_store %arg7[%parallel_loop3A_364], %parallel_loop3A_361 {strides = array<i32>} : memref<65536xf32, #tpu.memory_space<vmem>>, vector<16xf32>,
        %parallel_loop3A_366 = arith.constant 96 : i32
        %parallel_loop3A_367 = arith.addi %parallel_loop3A_119, %parallel_loop3A_366 : i32
        %parallel_loop3A_368 = arith.index_cast %parallel_loop3A_367 : i32 to index
        %parallel_loop3A_369 = tpu.vector_load %arg6[%parallel_loop3A_368] {strides = array<i32>} : memref<1280xf32, #tpu.memory_space<vmem>>, vector<16xf32>,
        %parallel_loop3A_370 = arith.constant 96 : i32
        %parallel_loop3A_371 = arith.addi %parallel_loop3A_317, %parallel_loop3A_370 : i32
        %parallel_loop3A_372 = arith.index_cast %parallel_loop3A_371 : i32 to index
        %parallel_loop3A_373 = tpu.vector_load %arg7[%parallel_loop3A_372] {strides = array<i32>} : memref<65536xf32, #tpu.memory_space<vmem>>, vector<16xf32>,
        tpu.vector_store %arg7[%parallel_loop3A_372], %parallel_loop3A_369 {strides = array<i32>} : memref<65536xf32, #tpu.memory_space<vmem>>, vector<16xf32>,
        %parallel_loop3A_374 = arith.constant 112 : i32
        %parallel_loop3A_375 = arith.addi %parallel_loop3A_119, %parallel_loop3A_374 : i32
        %parallel_loop3A_376 = arith.index_cast %parallel_loop3A_375 : i32 to index
        %parallel_loop3A_377 = tpu.vector_load %arg6[%parallel_loop3A_376] {strides = array<i32>} : memref<1280xf32, #tpu.memory_space<vmem>>, vector<16xf32>,
        %parallel_loop3A_378 = arith.constant 112 : i32
        %parallel_loop3A_379 = arith.addi %parallel_loop3A_317, %parallel_loop3A_378 : i32
        %parallel_loop3A_380 = arith.index_cast %parallel_loop3A_379 : i32 to index
        %parallel_loop3A_381 = tpu.vector_load %arg7[%parallel_loop3A_380] {strides = array<i32>} : memref<65536xf32, #tpu.memory_space<vmem>>, vector<16xf32>,
        tpu.vector_store %arg7[%parallel_loop3A_380], %parallel_loop3A_377 {strides = array<i32>} : memref<65536xf32, #tpu.memory_space<vmem>>, vector<16xf32>,
        %parallel_loop3A_382 = arith.constant 16 : i32
        %parallel_loop3A_383 = arith.muli %parallel_loop3A_103, %parallel_loop3A_382 : i32
        %parallel_loop3A_384 = arith.constant 3 : i32
        %parallel_loop3A_385 = arith.addi %parallel_loop3A_383, %parallel_loop3A_384 : i32
        %parallel_loop3A_386 = arith.constant 128 : i32
        %parallel_loop3A_387 = arith.muli %parallel_loop3A_385, %parallel_loop3A_386 : i32
        %parallel_loop3A_388 = arith.constant 0 : i32
        %parallel_loop3A_389 = arith.addi %parallel_loop3A_123, %parallel_loop3A_388 : i32
        %parallel_loop3A_390 = arith.index_cast %parallel_loop3A_389 : i32 to index
        %parallel_loop3A_391 = tpu.vector_load %arg6[%parallel_loop3A_390] {strides = array<i32>} : memref<1280xf32, #tpu.memory_space<vmem>>, vector<16xf32>,
        %parallel_loop3A_392 = arith.constant 0 : i32
        %parallel_loop3A_393 = arith.addi %parallel_loop3A_387, %parallel_loop3A_392 : i32
        %parallel_loop3A_394 = arith.index_cast %parallel_loop3A_393 : i32 to index
        %parallel_loop3A_395 = tpu.vector_load %arg7[%parallel_loop3A_394] {strides = array<i32>} : memref<65536xf32, #tpu.memory_space<vmem>>, vector<16xf32>,
        tpu.vector_store %arg7[%parallel_loop3A_394], %parallel_loop3A_391 {strides = array<i32>} : memref<65536xf32, #tpu.memory_space<vmem>>, vector<16xf32>,
        %parallel_loop3A_396 = arith.constant 16 : i32
        %parallel_loop3A_397 = arith.addi %parallel_loop3A_123, %parallel_loop3A_396 : i32
        %parallel_loop3A_398 = arith.index_cast %parallel_loop3A_397 : i32 to index
        %parallel_loop3A_399 = tpu.vector_load %arg6[%parallel_loop3A_398] {strides = array<i32>} : memref<1280xf32, #tpu.memory_space<vmem>>, vector<16xf32>,
        %parallel_loop3A_400 = arith.constant 16 : i32
        %parallel_loop3A_401 = arith.addi %parallel_loop3A_387, %parallel_loop3A_400 : i32
        %parallel_loop3A_402 = arith.index_cast %parallel_loop3A_401 : i32 to index
        %parallel_loop3A_403 = tpu.vector_load %arg7[%parallel_loop3A_402] {strides = array<i32>} : memref<65536xf32, #tpu.memory_space<vmem>>, vector<16xf32>,
        tpu.vector_store %arg7[%parallel_loop3A_402], %parallel_loop3A_399 {strides = array<i32>} : memref<65536xf32, #tpu.memory_space<vmem>>, vector<16xf32>,
        %parallel_loop3A_404 = arith.constant 32 : i32
        %parallel_loop3A_405 = arith.addi %parallel_loop3A_123, %parallel_loop3A_404 : i32
        %parallel_loop3A_406 = arith.index_cast %parallel_loop3A_405 : i32 to index
        %parallel_loop3A_407 = tpu.vector_load %arg6[%parallel_loop3A_406] {strides = array<i32>} : memref<1280xf32, #tpu.memory_space<vmem>>, vector<16xf32>,
        %parallel_loop3A_408 = arith.constant 32 : i32
        %parallel_loop3A_409 = arith.addi %parallel_loop3A_387, %parallel_loop3A_408 : i32
        %parallel_loop3A_410 = arith.index_cast %parallel_loop3A_409 : i32 to index
        %parallel_loop3A_411 = tpu.vector_load %arg7[%parallel_loop3A_410] {strides = array<i32>} : memref<65536xf32, #tpu.memory_space<vmem>>, vector<16xf32>,
        tpu.vector_store %arg7[%parallel_loop3A_410], %parallel_loop3A_407 {strides = array<i32>} : memref<65536xf32, #tpu.memory_space<vmem>>, vector<16xf32>,
        %parallel_loop3A_412 = arith.constant 48 : i32
        %parallel_loop3A_413 = arith.addi %parallel_loop3A_123, %parallel_loop3A_412 : i32
        %parallel_loop3A_414 = arith.index_cast %parallel_loop3A_413 : i32 to index
        %parallel_loop3A_415 = tpu.vector_load %arg6[%parallel_loop3A_414] {strides = array<i32>} : memref<1280xf32, #tpu.memory_space<vmem>>, vector<16xf32>,
        %parallel_loop3A_416 = arith.constant 48 : i32
        %parallel_loop3A_417 = arith.addi %parallel_loop3A_387, %parallel_loop3A_416 : i32
        %parallel_loop3A_418 = arith.index_cast %parallel_loop3A_417 : i32 to index
        %parallel_loop3A_419 = tpu.vector_load %arg7[%parallel_loop3A_418] {strides = array<i32>} : memref<65536xf32, #tpu.memory_space<vmem>>, vector<16xf32>,
        tpu.vector_store %arg7[%parallel_loop3A_418], %parallel_loop3A_415 {strides = array<i32>} : memref<65536xf32, #tpu.memory_space<vmem>>, vector<16xf32>,
        %parallel_loop3A_420 = arith.constant 64 : i32
        %parallel_loop3A_421 = arith.addi %parallel_loop3A_123, %parallel_loop3A_420 : i32
        %parallel_loop3A_422 = arith.index_cast %parallel_loop3A_421 : i32 to index
        %parallel_loop3A_423 = tpu.vector_load %arg6[%parallel_loop3A_422] {strides = array<i32>} : memref<1280xf32, #tpu.memory_space<vmem>>, vector<16xf32>,
        %parallel_loop3A_424 = arith.constant 64 : i32
        %parallel_loop3A_425 = arith.addi %parallel_loop3A_387, %parallel_loop3A_424 : i32
        %parallel_loop3A_426 = arith.index_cast %parallel_loop3A_425 : i32 to index
        %parallel_loop3A_427 = tpu.vector_load %arg7[%parallel_loop3A_426] {strides = array<i32>} : memref<65536xf32, #tpu.memory_space<vmem>>, vector<16xf32>,
        tpu.vector_store %arg7[%parallel_loop3A_426], %parallel_loop3A_423 {strides = array<i32>} : memref<65536xf32, #tpu.memory_space<vmem>>, vector<16xf32>,
        %parallel_loop3A_428 = arith.constant 80 : i32
        %parallel_loop3A_429 = arith.addi %parallel_loop3A_123, %parallel_loop3A_428 : i32
        %parallel_loop3A_430 = arith.index_cast %parallel_loop3A_429 : i32 to index
        %parallel_loop3A_431 = tpu.vector_load %arg6[%parallel_loop3A_430] {strides = array<i32>} : memref<1280xf32, #tpu.memory_space<vmem>>, vector<16xf32>,
        %parallel_loop3A_432 = arith.constant 80 : i32
        %parallel_loop3A_433 = arith.addi %parallel_loop3A_387, %parallel_loop3A_432 : i32
        %parallel_loop3A_434 = arith.index_cast %parallel_loop3A_433 : i32 to index
        %parallel_loop3A_435 = tpu.vector_load %arg7[%parallel_loop3A_434] {strides = array<i32>} : memref<65536xf32, #tpu.memory_space<vmem>>, vector<16xf32>,
        tpu.vector_store %arg7[%parallel_loop3A_434], %parallel_loop3A_431 {strides = array<i32>} : memref<65536xf32, #tpu.memory_space<vmem>>, vector<16xf32>,
        %parallel_loop3A_436 = arith.constant 96 : i32
        %parallel_loop3A_437 = arith.addi %parallel_loop3A_123, %parallel_loop3A_436 : i32
        %parallel_loop3A_438 = arith.index_cast %parallel_loop3A_437 : i32 to index
        %parallel_loop3A_439 = tpu.vector_load %arg6[%parallel_loop3A_438] {strides = array<i32>} : memref<1280xf32, #tpu.memory_space<vmem>>, vector<16xf32>,
        %parallel_loop3A_440 = arith.constant 96 : i32
        %parallel_loop3A_441 = arith.addi %parallel_loop3A_387, %parallel_loop3A_440 : i32
        %parallel_loop3A_442 = arith.index_cast %parallel_loop3A_441 : i32 to index
        %parallel_loop3A_443 = tpu.vector_load %arg7[%parallel_loop3A_442] {strides = array<i32>} : memref<65536xf32, #tpu.memory_space<vmem>>, vector<16xf32>,
        tpu.vector_store %arg7[%parallel_loop3A_442], %parallel_loop3A_439 {strides = array<i32>} : memref<65536xf32, #tpu.memory_space<vmem>>, vector<16xf32>,
        %parallel_loop3A_444 = arith.constant 112 : i32
        %parallel_loop3A_445 = arith.addi %parallel_loop3A_123, %parallel_loop3A_444 : i32
        %parallel_loop3A_446 = arith.index_cast %parallel_loop3A_445 : i32 to index
        %parallel_loop3A_447 = tpu.vector_load %arg6[%parallel_loop3A_446] {strides = array<i32>} : memref<1280xf32, #tpu.memory_space<vmem>>, vector<16xf32>,
        %parallel_loop3A_448 = arith.constant 112 : i32
        %parallel_loop3A_449 = arith.addi %parallel_loop3A_387, %parallel_loop3A_448 : i32
        %parallel_loop3A_450 = arith.index_cast %parallel_loop3A_449 : i32 to index
        %parallel_loop3A_451 = tpu.vector_load %arg7[%parallel_loop3A_450] {strides = array<i32>} : memref<65536xf32, #tpu.memory_space<vmem>>, vector<16xf32>,
        tpu.vector_store %arg7[%parallel_loop3A_450], %parallel_loop3A_447 {strides = array<i32>} : memref<65536xf32, #tpu.memory_space<vmem>>, vector<16xf32>,
        %parallel_loop3A_452 = arith.constant 16 : i32
        %parallel_loop3A_453 = arith.muli %parallel_loop3A_103, %parallel_loop3A_452 : i32
        %parallel_loop3A_454 = arith.constant 4 : i32
        %parallel_loop3A_455 = arith.addi %parallel_loop3A_453, %parallel_loop3A_454 : i32
        %parallel_loop3A_456 = arith.constant 128 : i32
        %parallel_loop3A_457 = arith.muli %parallel_loop3A_455, %parallel_loop3A_456 : i32
        %parallel_loop3A_458 = arith.constant 0 : i32
        %parallel_loop3A_459 = arith.addi %parallel_loop3A_127, %parallel_loop3A_458 : i32
        %parallel_loop3A_460 = arith.index_cast %parallel_loop3A_459 : i32 to index
        %parallel_loop3A_461 = tpu.vector_load %arg6[%parallel_loop3A_460] {strides = array<i32>} : memref<1280xf32, #tpu.memory_space<vmem>>, vector<16xf32>,
        %parallel_loop3A_462 = arith.constant 0 : i32
        %parallel_loop3A_463 = arith.addi %parallel_loop3A_457, %parallel_loop3A_462 : i32
        %parallel_loop3A_464 = arith.index_cast %parallel_loop3A_463 : i32 to index
        %parallel_loop3A_465 = tpu.vector_load %arg7[%parallel_loop3A_464] {strides = array<i32>} : memref<65536xf32, #tpu.memory_space<vmem>>, vector<16xf32>,
        tpu.vector_store %arg7[%parallel_loop3A_464], %parallel_loop3A_461 {strides = array<i32>} : memref<65536xf32, #tpu.memory_space<vmem>>, vector<16xf32>,
        %parallel_loop3A_466 = arith.constant 16 : i32
        %parallel_loop3A_467 = arith.addi %parallel_loop3A_127, %parallel_loop3A_466 : i32
        %parallel_loop3A_468 = arith.index_cast %parallel_loop3A_467 : i32 to index
        %parallel_loop3A_469 = tpu.vector_load %arg6[%parallel_loop3A_468] {strides = array<i32>} : memref<1280xf32, #tpu.memory_space<vmem>>, vector<16xf32>,
        %parallel_loop3A_470 = arith.constant 16 : i32
        %parallel_loop3A_471 = arith.addi %parallel_loop3A_457, %parallel_loop3A_470 : i32
        %parallel_loop3A_472 = arith.index_cast %parallel_loop3A_471 : i32 to index
        %parallel_loop3A_473 = tpu.vector_load %arg7[%parallel_loop3A_472] {strides = array<i32>} : memref<65536xf32, #tpu.memory_space<vmem>>, vector<16xf32>,
        tpu.vector_store %arg7[%parallel_loop3A_472], %parallel_loop3A_469 {strides = array<i32>} : memref<65536xf32, #tpu.memory_space<vmem>>, vector<16xf32>,
        %parallel_loop3A_474 = arith.constant 32 : i32
        %parallel_loop3A_475 = arith.addi %parallel_loop3A_127, %parallel_loop3A_474 : i32
        %parallel_loop3A_476 = arith.index_cast %parallel_loop3A_475 : i32 to index
        %parallel_loop3A_477 = tpu.vector_load %arg6[%parallel_loop3A_476] {strides = array<i32>} : memref<1280xf32, #tpu.memory_space<vmem>>, vector<16xf32>,
        %parallel_loop3A_478 = arith.constant 32 : i32
        %parallel_loop3A_479 = arith.addi %parallel_loop3A_457, %parallel_loop3A_478 : i32
        %parallel_loop3A_480 = arith.index_cast %parallel_loop3A_479 : i32 to index
        %parallel_loop3A_481 = tpu.vector_load %arg7[%parallel_loop3A_480] {strides = array<i32>} : memref<65536xf32, #tpu.memory_space<vmem>>, vector<16xf32>,
        tpu.vector_store %arg7[%parallel_loop3A_480], %parallel_loop3A_477 {strides = array<i32>} : memref<65536xf32, #tpu.memory_space<vmem>>, vector<16xf32>,
        %parallel_loop3A_482 = arith.constant 48 : i32
        %parallel_loop3A_483 = arith.addi %parallel_loop3A_127, %parallel_loop3A_482 : i32
        %parallel_loop3A_484 = arith.index_cast %parallel_loop3A_483 : i32 to index
        %parallel_loop3A_485 = tpu.vector_load %arg6[%parallel_loop3A_484] {strides = array<i32>} : memref<1280xf32, #tpu.memory_space<vmem>>, vector<16xf32>,
        %parallel_loop3A_486 = arith.constant 48 : i32
        %parallel_loop3A_487 = arith.addi %parallel_loop3A_457, %parallel_loop3A_486 : i32
        %parallel_loop3A_488 = arith.index_cast %parallel_loop3A_487 : i32 to index
        %parallel_loop3A_489 = tpu.vector_load %arg7[%parallel_loop3A_488] {strides = array<i32>} : memref<65536xf32, #tpu.memory_space<vmem>>, vector<16xf32>,
        tpu.vector_store %arg7[%parallel_loop3A_488], %parallel_loop3A_485 {strides = array<i32>} : memref<65536xf32, #tpu.memory_space<vmem>>, vector<16xf32>,
        %parallel_loop3A_490 = arith.constant 64 : i32
        %parallel_loop3A_491 = arith.addi %parallel_loop3A_127, %parallel_loop3A_490 : i32
        %parallel_loop3A_492 = arith.index_cast %parallel_loop3A_491 : i32 to index
        %parallel_loop3A_493 = tpu.vector_load %arg6[%parallel_loop3A_492] {strides = array<i32>} : memref<1280xf32, #tpu.memory_space<vmem>>, vector<16xf32>,
        %parallel_loop3A_494 = arith.constant 64 : i32
        %parallel_loop3A_495 = arith.addi %parallel_loop3A_457, %parallel_loop3A_494 : i32
        %parallel_loop3A_496 = arith.index_cast %parallel_loop3A_495 : i32 to index
        %parallel_loop3A_497 = tpu.vector_load %arg7[%parallel_loop3A_496] {strides = array<i32>} : memref<65536xf32, #tpu.memory_space<vmem>>, vector<16xf32>,
        tpu.vector_store %arg7[%parallel_loop3A_496], %parallel_loop3A_493 {strides = array<i32>} : memref<65536xf32, #tpu.memory_space<vmem>>, vector<16xf32>,
        %parallel_loop3A_498 = arith.constant 80 : i32
        %parallel_loop3A_499 = arith.addi %parallel_loop3A_127, %parallel_loop3A_498 : i32
        %parallel_loop3A_500 = arith.index_cast %parallel_loop3A_499 : i32 to index
        %parallel_loop3A_501 = tpu.vector_load %arg6[%parallel_loop3A_500] {strides = array<i32>} : memref<1280xf32, #tpu.memory_space<vmem>>, vector<16xf32>,
        %parallel_loop3A_502 = arith.constant 80 : i32
        %parallel_loop3A_503 = arith.addi %parallel_loop3A_457, %parallel_loop3A_502 : i32
        %parallel_loop3A_504 = arith.index_cast %parallel_loop3A_503 : i32 to index
        %parallel_loop3A_505 = tpu.vector_load %arg7[%parallel_loop3A_504] {strides = array<i32>} : memref<65536xf32, #tpu.memory_space<vmem>>, vector<16xf32>,
        tpu.vector_store %arg7[%parallel_loop3A_504], %parallel_loop3A_501 {strides = array<i32>} : memref<65536xf32, #tpu.memory_space<vmem>>, vector<16xf32>,
        %parallel_loop3A_506 = arith.constant 96 : i32
        %parallel_loop3A_507 = arith.addi %parallel_loop3A_127, %parallel_loop3A_506 : i32
        %parallel_loop3A_508 = arith.index_cast %parallel_loop3A_507 : i32 to index
        %parallel_loop3A_509 = tpu.vector_load %arg6[%parallel_loop3A_508] {strides = array<i32>} : memref<1280xf32, #tpu.memory_space<vmem>>, vector<16xf32>,
        %parallel_loop3A_510 = arith.constant 96 : i32
        %parallel_loop3A_511 = arith.addi %parallel_loop3A_457, %parallel_loop3A_510 : i32
        %parallel_loop3A_512 = arith.index_cast %parallel_loop3A_511 : i32 to index
        %parallel_loop3A_513 = tpu.vector_load %arg7[%parallel_loop3A_512] {strides = array<i32>} : memref<65536xf32, #tpu.memory_space<vmem>>, vector<16xf32>,
        tpu.vector_store %arg7[%parallel_loop3A_512], %parallel_loop3A_509 {strides = array<i32>} : memref<65536xf32, #tpu.memory_space<vmem>>, vector<16xf32>,
        %parallel_loop3A_514 = arith.constant 112 : i32
        %parallel_loop3A_515 = arith.addi %parallel_loop3A_127, %parallel_loop3A_514 : i32
        %parallel_loop3A_516 = arith.index_cast %parallel_loop3A_515 : i32 to index
        %parallel_loop3A_517 = tpu.vector_load %arg6[%parallel_loop3A_516] {strides = array<i32>} : memref<1280xf32, #tpu.memory_space<vmem>>, vector<16xf32>,
        %parallel_loop3A_518 = arith.constant 112 : i32
        %parallel_loop3A_519 = arith.addi %parallel_loop3A_457, %parallel_loop3A_518 : i32
        %parallel_loop3A_520 = arith.index_cast %parallel_loop3A_519 : i32 to index
        %parallel_loop3A_521 = tpu.vector_load %arg7[%parallel_loop3A_520] {strides = array<i32>} : memref<65536xf32, #tpu.memory_space<vmem>>, vector<16xf32>,
        tpu.vector_store %arg7[%parallel_loop3A_520], %parallel_loop3A_517 {strides = array<i32>} : memref<65536xf32, #tpu.memory_space<vmem>>, vector<16xf32>,
        %parallel_loop3A_522 = arith.constant 16 : i32
        %parallel_loop3A_523 = arith.muli %parallel_loop3A_103, %parallel_loop3A_522 : i32
        %parallel_loop3A_524 = arith.constant 5 : i32
        %parallel_loop3A_525 = arith.addi %parallel_loop3A_523, %parallel_loop3A_524 : i32
        %parallel_loop3A_526 = arith.constant 128 : i32
        %parallel_loop3A_527 = arith.muli %parallel_loop3A_525, %parallel_loop3A_526 : i32
        %parallel_loop3A_528 = arith.constant 0 : i32
        %parallel_loop3A_529 = arith.addi %parallel_loop3A_131, %parallel_loop3A_528 : i32
        %parallel_loop3A_530 = arith.index_cast %parallel_loop3A_529 : i32 to index
        %parallel_loop3A_531 = tpu.vector_load %arg6[%parallel_loop3A_530] {strides = array<i32>} : memref<1280xf32, #tpu.memory_space<vmem>>, vector<16xf32>,
        %parallel_loop3A_532 = arith.constant 0 : i32
        %parallel_loop3A_533 = arith.addi %parallel_loop3A_527, %parallel_loop3A_532 : i32
        %parallel_loop3A_534 = arith.index_cast %parallel_loop3A_533 : i32 to index
        %parallel_loop3A_535 = tpu.vector_load %arg7[%parallel_loop3A_534] {strides = array<i32>} : memref<65536xf32, #tpu.memory_space<vmem>>, vector<16xf32>,
        tpu.vector_store %arg7[%parallel_loop3A_534], %parallel_loop3A_531 {strides = array<i32>} : memref<65536xf32, #tpu.memory_space<vmem>>, vector<16xf32>,
        %parallel_loop3A_536 = arith.constant 16 : i32
        %parallel_loop3A_537 = arith.addi %parallel_loop3A_131, %parallel_loop3A_536 : i32
        %parallel_loop3A_538 = arith.index_cast %parallel_loop3A_537 : i32 to index
        %parallel_loop3A_539 = tpu.vector_load %arg6[%parallel_loop3A_538] {strides = array<i32>} : memref<1280xf32, #tpu.memory_space<vmem>>, vector<16xf32>,
        %parallel_loop3A_540 = arith.constant 16 : i32
        %parallel_loop3A_541 = arith.addi %parallel_loop3A_527, %parallel_loop3A_540 : i32
        %parallel_loop3A_542 = arith.index_cast %parallel_loop3A_541 : i32 to index
        %parallel_loop3A_543 = tpu.vector_load %arg7[%parallel_loop3A_542] {strides = array<i32>} : memref<65536xf32, #tpu.memory_space<vmem>>, vector<16xf32>,
        tpu.vector_store %arg7[%parallel_loop3A_542], %parallel_loop3A_539 {strides = array<i32>} : memref<65536xf32, #tpu.memory_space<vmem>>, vector<16xf32>,
        %parallel_loop3A_544 = arith.constant 32 : i32
        %parallel_loop3A_545 = arith.addi %parallel_loop3A_131, %parallel_loop3A_544 : i32
        %parallel_loop3A_546 = arith.index_cast %parallel_loop3A_545 : i32 to index
        %parallel_loop3A_547 = tpu.vector_load %arg6[%parallel_loop3A_546] {strides = array<i32>} : memref<1280xf32, #tpu.memory_space<vmem>>, vector<16xf32>,
        %parallel_loop3A_548 = arith.constant 32 : i32
        %parallel_loop3A_549 = arith.addi %parallel_loop3A_527, %parallel_loop3A_548 : i32
        %parallel_loop3A_550 = arith.index_cast %parallel_loop3A_549 : i32 to index
        %parallel_loop3A_551 = tpu.vector_load %arg7[%parallel_loop3A_550] {strides = array<i32>} : memref<65536xf32, #tpu.memory_space<vmem>>, vector<16xf32>,
        tpu.vector_store %arg7[%parallel_loop3A_550], %parallel_loop3A_547 {strides = array<i32>} : memref<65536xf32, #tpu.memory_space<vmem>>, vector<16xf32>,
        %parallel_loop3A_552 = arith.constant 48 : i32
        %parallel_loop3A_553 = arith.addi %parallel_loop3A_131, %parallel_loop3A_552 : i32
        %parallel_loop3A_554 = arith.index_cast %parallel_loop3A_553 : i32 to index
        %parallel_loop3A_555 = tpu.vector_load %arg6[%parallel_loop3A_554] {strides = array<i32>} : memref<1280xf32, #tpu.memory_space<vmem>>, vector<16xf32>,
        %parallel_loop3A_556 = arith.constant 48 : i32
        %parallel_loop3A_557 = arith.addi %parallel_loop3A_527, %parallel_loop3A_556 : i32
        %parallel_loop3A_558 = arith.index_cast %parallel_loop3A_557 : i32 to index
        %parallel_loop3A_559 = tpu.vector_load %arg7[%parallel_loop3A_558] {strides = array<i32>} : memref<65536xf32, #tpu.memory_space<vmem>>, vector<16xf32>,
        tpu.vector_store %arg7[%parallel_loop3A_558], %parallel_loop3A_555 {strides = array<i32>} : memref<65536xf32, #tpu.memory_space<vmem>>, vector<16xf32>,
        %parallel_loop3A_560 = arith.constant 64 : i32
        %parallel_loop3A_561 = arith.addi %parallel_loop3A_131, %parallel_loop3A_560 : i32
        %parallel_loop3A_562 = arith.index_cast %parallel_loop3A_561 : i32 to index
        %parallel_loop3A_563 = tpu.vector_load %arg6[%parallel_loop3A_562] {strides = array<i32>} : memref<1280xf32, #tpu.memory_space<vmem>>, vector<16xf32>,
        %parallel_loop3A_564 = arith.constant 64 : i32
        %parallel_loop3A_565 = arith.addi %parallel_loop3A_527, %parallel_loop3A_564 : i32
        %parallel_loop3A_566 = arith.index_cast %parallel_loop3A_565 : i32 to index
        %parallel_loop3A_567 = tpu.vector_load %arg7[%parallel_loop3A_566] {strides = array<i32>} : memref<65536xf32, #tpu.memory_space<vmem>>, vector<16xf32>,
        tpu.vector_store %arg7[%parallel_loop3A_566], %parallel_loop3A_563 {strides = array<i32>} : memref<65536xf32, #tpu.memory_space<vmem>>, vector<16xf32>,
        %parallel_loop3A_568 = arith.constant 80 : i32
        %parallel_loop3A_569 = arith.addi %parallel_loop3A_131, %parallel_loop3A_568 : i32
        %parallel_loop3A_570 = arith.index_cast %parallel_loop3A_569 : i32 to index
        %parallel_loop3A_571 = tpu.vector_load %arg6[%parallel_loop3A_570] {strides = array<i32>} : memref<1280xf32, #tpu.memory_space<vmem>>, vector<16xf32>,
        %parallel_loop3A_572 = arith.constant 80 : i32
        %parallel_loop3A_573 = arith.addi %parallel_loop3A_527, %parallel_loop3A_572 : i32
        %parallel_loop3A_574 = arith.index_cast %parallel_loop3A_573 : i32 to index
        %parallel_loop3A_575 = tpu.vector_load %arg7[%parallel_loop3A_574] {strides = array<i32>} : memref<65536xf32, #tpu.memory_space<vmem>>, vector<16xf32>,
        tpu.vector_store %arg7[%parallel_loop3A_574], %parallel_loop3A_571 {strides = array<i32>} : memref<65536xf32, #tpu.memory_space<vmem>>, vector<16xf32>,
        %parallel_loop3A_576 = arith.constant 96 : i32
        %parallel_loop3A_577 = arith.addi %parallel_loop3A_131, %parallel_loop3A_576 : i32
        %parallel_loop3A_578 = arith.index_cast %parallel_loop3A_577 : i32 to index
        %parallel_loop3A_579 = tpu.vector_load %arg6[%parallel_loop3A_578] {strides = array<i32>} : memref<1280xf32, #tpu.memory_space<vmem>>, vector<16xf32>,
        %parallel_loop3A_580 = arith.constant 96 : i32
        %parallel_loop3A_581 = arith.addi %parallel_loop3A_527, %parallel_loop3A_580 : i32
        %parallel_loop3A_582 = arith.index_cast %parallel_loop3A_581 : i32 to index
        %parallel_loop3A_583 = tpu.vector_load %arg7[%parallel_loop3A_582] {strides = array<i32>} : memref<65536xf32, #tpu.memory_space<vmem>>, vector<16xf32>,
        tpu.vector_store %arg7[%parallel_loop3A_582], %parallel_loop3A_579 {strides = array<i32>} : memref<65536xf32, #tpu.memory_space<vmem>>, vector<16xf32>,
        %parallel_loop3A_584 = arith.constant 112 : i32
        %parallel_loop3A_585 = arith.addi %parallel_loop3A_131, %parallel_loop3A_584 : i32
        %parallel_loop3A_586 = arith.index_cast %parallel_loop3A_585 : i32 to index
        %parallel_loop3A_587 = tpu.vector_load %arg6[%parallel_loop3A_586] {strides = array<i32>} : memref<1280xf32, #tpu.memory_space<vmem>>, vector<16xf32>,
        %parallel_loop3A_588 = arith.constant 112 : i32
        %parallel_loop3A_589 = arith.addi %parallel_loop3A_527, %parallel_loop3A_588 : i32
        %parallel_loop3A_590 = arith.index_cast %parallel_loop3A_589 : i32 to index
        %parallel_loop3A_591 = tpu.vector_load %arg7[%parallel_loop3A_590] {strides = array<i32>} : memref<65536xf32, #tpu.memory_space<vmem>>, vector<16xf32>,
        tpu.vector_store %arg7[%parallel_loop3A_590], %parallel_loop3A_587 {strides = array<i32>} : memref<65536xf32, #tpu.memory_space<vmem>>, vector<16xf32>,
        %parallel_loop3A_592 = arith.constant 16 : i32
        %parallel_loop3A_593 = arith.muli %parallel_loop3A_103, %parallel_loop3A_592 : i32
        %parallel_loop3A_594 = arith.constant 6 : i32
        %parallel_loop3A_595 = arith.addi %parallel_loop3A_593, %parallel_loop3A_594 : i32
        %parallel_loop3A_596 = arith.constant 128 : i32
        %parallel_loop3A_597 = arith.muli %parallel_loop3A_595, %parallel_loop3A_596 : i32
        %parallel_loop3A_598 = arith.constant 0 : i32
        %parallel_loop3A_599 = arith.addi %parallel_loop3A_135, %parallel_loop3A_598 : i32
        %parallel_loop3A_600 = arith.index_cast %parallel_loop3A_599 : i32 to index
        %parallel_loop3A_601 = tpu.vector_load %arg6[%parallel_loop3A_600] {strides = array<i32>} : memref<1280xf32, #tpu.memory_space<vmem>>, vector<16xf32>,
        %parallel_loop3A_602 = arith.constant 0 : i32
        %parallel_loop3A_603 = arith.addi %parallel_loop3A_597, %parallel_loop3A_602 : i32
        %parallel_loop3A_604 = arith.index_cast %parallel_loop3A_603 : i32 to index
        %parallel_loop3A_605 = tpu.vector_load %arg7[%parallel_loop3A_604] {strides = array<i32>} : memref<65536xf32, #tpu.memory_space<vmem>>, vector<16xf32>,
        tpu.vector_store %arg7[%parallel_loop3A_604], %parallel_loop3A_601 {strides = array<i32>} : memref<65536xf32, #tpu.memory_space<vmem>>, vector<16xf32>,
        %parallel_loop3A_606 = arith.constant 16 : i32
        %parallel_loop3A_607 = arith.addi %parallel_loop3A_135, %parallel_loop3A_606 : i32
        %parallel_loop3A_608 = arith.index_cast %parallel_loop3A_607 : i32 to index
        %parallel_loop3A_609 = tpu.vector_load %arg6[%parallel_loop3A_608] {strides = array<i32>} : memref<1280xf32, #tpu.memory_space<vmem>>, vector<16xf32>,
        %parallel_loop3A_610 = arith.constant 16 : i32
        %parallel_loop3A_611 = arith.addi %parallel_loop3A_597, %parallel_loop3A_610 : i32
        %parallel_loop3A_612 = arith.index_cast %parallel_loop3A_611 : i32 to index
        %parallel_loop3A_613 = tpu.vector_load %arg7[%parallel_loop3A_612] {strides = array<i32>} : memref<65536xf32, #tpu.memory_space<vmem>>, vector<16xf32>,
        tpu.vector_store %arg7[%parallel_loop3A_612], %parallel_loop3A_609 {strides = array<i32>} : memref<65536xf32, #tpu.memory_space<vmem>>, vector<16xf32>,
        %parallel_loop3A_614 = arith.constant 32 : i32
        %parallel_loop3A_615 = arith.addi %parallel_loop3A_135, %parallel_loop3A_614 : i32
        %parallel_loop3A_616 = arith.index_cast %parallel_loop3A_615 : i32 to index
        %parallel_loop3A_617 = tpu.vector_load %arg6[%parallel_loop3A_616] {strides = array<i32>} : memref<1280xf32, #tpu.memory_space<vmem>>, vector<16xf32>,
        %parallel_loop3A_618 = arith.constant 32 : i32
        %parallel_loop3A_619 = arith.addi %parallel_loop3A_597, %parallel_loop3A_618 : i32
        %parallel_loop3A_620 = arith.index_cast %parallel_loop3A_619 : i32 to index
        %parallel_loop3A_621 = tpu.vector_load %arg7[%parallel_loop3A_620] {strides = array<i32>} : memref<65536xf32, #tpu.memory_space<vmem>>, vector<16xf32>,
        tpu.vector_store %arg7[%parallel_loop3A_620], %parallel_loop3A_617 {strides = array<i32>} : memref<65536xf32, #tpu.memory_space<vmem>>, vector<16xf32>,
        %parallel_loop3A_622 = arith.constant 48 : i32
        %parallel_loop3A_623 = arith.addi %parallel_loop3A_135, %parallel_loop3A_622 : i32
        %parallel_loop3A_624 = arith.index_cast %parallel_loop3A_623 : i32 to index
        %parallel_loop3A_625 = tpu.vector_load %arg6[%parallel_loop3A_624] {strides = array<i32>} : memref<1280xf32, #tpu.memory_space<vmem>>, vector<16xf32>,
        %parallel_loop3A_626 = arith.constant 48 : i32
        %parallel_loop3A_627 = arith.addi %parallel_loop3A_597, %parallel_loop3A_626 : i32
        %parallel_loop3A_628 = arith.index_cast %parallel_loop3A_627 : i32 to index
        %parallel_loop3A_629 = tpu.vector_load %arg7[%parallel_loop3A_628] {strides = array<i32>} : memref<65536xf32, #tpu.memory_space<vmem>>, vector<16xf32>,
        tpu.vector_store %arg7[%parallel_loop3A_628], %parallel_loop3A_625 {strides = array<i32>} : memref<65536xf32, #tpu.memory_space<vmem>>, vector<16xf32>,
        %parallel_loop3A_630 = arith.constant 64 : i32
        %parallel_loop3A_631 = arith.addi %parallel_loop3A_135, %parallel_loop3A_630 : i32
        %parallel_loop3A_632 = arith.index_cast %parallel_loop3A_631 : i32 to index
        %parallel_loop3A_633 = tpu.vector_load %arg6[%parallel_loop3A_632] {strides = array<i32>} : memref<1280xf32, #tpu.memory_space<vmem>>, vector<16xf32>,
        %parallel_loop3A_634 = arith.constant 64 : i32
        %parallel_loop3A_635 = arith.addi %parallel_loop3A_597, %parallel_loop3A_634 : i32
        %parallel_loop3A_636 = arith.index_cast %parallel_loop3A_635 : i32 to index
        %parallel_loop3A_637 = tpu.vector_load %arg7[%parallel_loop3A_636] {strides = array<i32>} : memref<65536xf32, #tpu.memory_space<vmem>>, vector<16xf32>,
        tpu.vector_store %arg7[%parallel_loop3A_636], %parallel_loop3A_633 {strides = array<i32>} : memref<65536xf32, #tpu.memory_space<vmem>>, vector<16xf32>,
        %parallel_loop3A_638 = arith.constant 80 : i32
        %parallel_loop3A_639 = arith.addi %parallel_loop3A_135, %parallel_loop3A_638 : i32
        %parallel_loop3A_640 = arith.index_cast %parallel_loop3A_639 : i32 to index
        %parallel_loop3A_641 = tpu.vector_load %arg6[%parallel_loop3A_640] {strides = array<i32>} : memref<1280xf32, #tpu.memory_space<vmem>>, vector<16xf32>,
        %parallel_loop3A_642 = arith.constant 80 : i32
        %parallel_loop3A_643 = arith.addi %parallel_loop3A_597, %parallel_loop3A_642 : i32
        %parallel_loop3A_644 = arith.index_cast %parallel_loop3A_643 : i32 to index
        %parallel_loop3A_645 = tpu.vector_load %arg7[%parallel_loop3A_644] {strides = array<i32>} : memref<65536xf32, #tpu.memory_space<vmem>>, vector<16xf32>,
        tpu.vector_store %arg7[%parallel_loop3A_644], %parallel_loop3A_641 {strides = array<i32>} : memref<65536xf32, #tpu.memory_space<vmem>>, vector<16xf32>,
        %parallel_loop3A_646 = arith.constant 96 : i32
        %parallel_loop3A_647 = arith.addi %parallel_loop3A_135, %parallel_loop3A_646 : i32
        %parallel_loop3A_648 = arith.index_cast %parallel_loop3A_647 : i32 to index
        %parallel_loop3A_649 = tpu.vector_load %arg6[%parallel_loop3A_648] {strides = array<i32>} : memref<1280xf32, #tpu.memory_space<vmem>>, vector<16xf32>,
        %parallel_loop3A_650 = arith.constant 96 : i32
        %parallel_loop3A_651 = arith.addi %parallel_loop3A_597, %parallel_loop3A_650 : i32
        %parallel_loop3A_652 = arith.index_cast %parallel_loop3A_651 : i32 to index
        %parallel_loop3A_653 = tpu.vector_load %arg7[%parallel_loop3A_652] {strides = array<i32>} : memref<65536xf32, #tpu.memory_space<vmem>>, vector<16xf32>,
        tpu.vector_store %arg7[%parallel_loop3A_652], %parallel_loop3A_649 {strides = array<i32>} : memref<65536xf32, #tpu.memory_space<vmem>>, vector<16xf32>,
        %parallel_loop3A_654 = arith.constant 112 : i32
        %parallel_loop3A_655 = arith.addi %parallel_loop3A_135, %parallel_loop3A_654 : i32
        %parallel_loop3A_656 = arith.index_cast %parallel_loop3A_655 : i32 to index
        %parallel_loop3A_657 = tpu.vector_load %arg6[%parallel_loop3A_656] {strides = array<i32>} : memref<1280xf32, #tpu.memory_space<vmem>>, vector<16xf32>,
        %parallel_loop3A_658 = arith.constant 112 : i32
        %parallel_loop3A_659 = arith.addi %parallel_loop3A_597, %parallel_loop3A_658 : i32
        %parallel_loop3A_660 = arith.index_cast %parallel_loop3A_659 : i32 to index
        %parallel_loop3A_661 = tpu.vector_load %arg7[%parallel_loop3A_660] {strides = array<i32>} : memref<65536xf32, #tpu.memory_space<vmem>>, vector<16xf32>,
        tpu.vector_store %arg7[%parallel_loop3A_660], %parallel_loop3A_657 {strides = array<i32>} : memref<65536xf32, #tpu.memory_space<vmem>>, vector<16xf32>,
        %parallel_loop3A_662 = arith.constant 16 : i32
        %parallel_loop3A_663 = arith.muli %parallel_loop3A_103, %parallel_loop3A_662 : i32
        %parallel_loop3A_664 = arith.constant 7 : i32
        %parallel_loop3A_665 = arith.addi %parallel_loop3A_663, %parallel_loop3A_664 : i32
        %parallel_loop3A_666 = arith.constant 128 : i32
        %parallel_loop3A_667 = arith.muli %parallel_loop3A_665, %parallel_loop3A_666 : i32
        %parallel_loop3A_668 = arith.constant 0 : i32
        %parallel_loop3A_669 = arith.addi %parallel_loop3A_139, %parallel_loop3A_668 : i32
        %parallel_loop3A_670 = arith.index_cast %parallel_loop3A_669 : i32 to index
        %parallel_loop3A_671 = tpu.vector_load %arg6[%parallel_loop3A_670] {strides = array<i32>} : memref<1280xf32, #tpu.memory_space<vmem>>, vector<16xf32>,
        %parallel_loop3A_672 = arith.constant 0 : i32
        %parallel_loop3A_673 = arith.addi %parallel_loop3A_667, %parallel_loop3A_672 : i32
        %parallel_loop3A_674 = arith.index_cast %parallel_loop3A_673 : i32 to index
        %parallel_loop3A_675 = tpu.vector_load %arg7[%parallel_loop3A_674] {strides = array<i32>} : memref<65536xf32, #tpu.memory_space<vmem>>, vector<16xf32>,
        tpu.vector_store %arg7[%parallel_loop3A_674], %parallel_loop3A_671 {strides = array<i32>} : memref<65536xf32, #tpu.memory_space<vmem>>, vector<16xf32>,
        %parallel_loop3A_676 = arith.constant 16 : i32
        %parallel_loop3A_677 = arith.addi %parallel_loop3A_139, %parallel_loop3A_676 : i32
        %parallel_loop3A_678 = arith.index_cast %parallel_loop3A_677 : i32 to index
        %parallel_loop3A_679 = tpu.vector_load %arg6[%parallel_loop3A_678] {strides = array<i32>} : memref<1280xf32, #tpu.memory_space<vmem>>, vector<16xf32>,
        %parallel_loop3A_680 = arith.constant 16 : i32
        %parallel_loop3A_681 = arith.addi %parallel_loop3A_667, %parallel_loop3A_680 : i32
        %parallel_loop3A_682 = arith.index_cast %parallel_loop3A_681 : i32 to index
        %parallel_loop3A_683 = tpu.vector_load %arg7[%parallel_loop3A_682] {strides = array<i32>} : memref<65536xf32, #tpu.memory_space<vmem>>, vector<16xf32>,
        tpu.vector_store %arg7[%parallel_loop3A_682], %parallel_loop3A_679 {strides = array<i32>} : memref<65536xf32, #tpu.memory_space<vmem>>, vector<16xf32>,
        %parallel_loop3A_684 = arith.constant 32 : i32
        %parallel_loop3A_685 = arith.addi %parallel_loop3A_139, %parallel_loop3A_684 : i32
        %parallel_loop3A_686 = arith.index_cast %parallel_loop3A_685 : i32 to index
        %parallel_loop3A_687 = tpu.vector_load %arg6[%parallel_loop3A_686] {strides = array<i32>} : memref<1280xf32, #tpu.memory_space<vmem>>, vector<16xf32>,
        %parallel_loop3A_688 = arith.constant 32 : i32
        %parallel_loop3A_689 = arith.addi %parallel_loop3A_667, %parallel_loop3A_688 : i32
        %parallel_loop3A_690 = arith.index_cast %parallel_loop3A_689 : i32 to index
        %parallel_loop3A_691 = tpu.vector_load %arg7[%parallel_loop3A_690] {strides = array<i32>} : memref<65536xf32, #tpu.memory_space<vmem>>, vector<16xf32>,
        tpu.vector_store %arg7[%parallel_loop3A_690], %parallel_loop3A_687 {strides = array<i32>} : memref<65536xf32, #tpu.memory_space<vmem>>, vector<16xf32>,
        %parallel_loop3A_692 = arith.constant 48 : i32
        %parallel_loop3A_693 = arith.addi %parallel_loop3A_139, %parallel_loop3A_692 : i32
        %parallel_loop3A_694 = arith.index_cast %parallel_loop3A_693 : i32 to index
        %parallel_loop3A_695 = tpu.vector_load %arg6[%parallel_loop3A_694] {strides = array<i32>} : memref<1280xf32, #tpu.memory_space<vmem>>, vector<16xf32>,
        %parallel_loop3A_696 = arith.constant 48 : i32
        %parallel_loop3A_697 = arith.addi %parallel_loop3A_667, %parallel_loop3A_696 : i32
        %parallel_loop3A_698 = arith.index_cast %parallel_loop3A_697 : i32 to index
        %parallel_loop3A_699 = tpu.vector_load %arg7[%parallel_loop3A_698] {strides = array<i32>} : memref<65536xf32, #tpu.memory_space<vmem>>, vector<16xf32>,
        tpu.vector_store %arg7[%parallel_loop3A_698], %parallel_loop3A_695 {strides = array<i32>} : memref<65536xf32, #tpu.memory_space<vmem>>, vector<16xf32>,
        %parallel_loop3A_700 = arith.constant 64 : i32
        %parallel_loop3A_701 = arith.addi %parallel_loop3A_139, %parallel_loop3A_700 : i32
        %parallel_loop3A_702 = arith.index_cast %parallel_loop3A_701 : i32 to index
        %parallel_loop3A_703 = tpu.vector_load %arg6[%parallel_loop3A_702] {strides = array<i32>} : memref<1280xf32, #tpu.memory_space<vmem>>, vector<16xf32>,
        %parallel_loop3A_704 = arith.constant 64 : i32
        %parallel_loop3A_705 = arith.addi %parallel_loop3A_667, %parallel_loop3A_704 : i32
        %parallel_loop3A_706 = arith.index_cast %parallel_loop3A_705 : i32 to index
        %parallel_loop3A_707 = tpu.vector_load %arg7[%parallel_loop3A_706] {strides = array<i32>} : memref<65536xf32, #tpu.memory_space<vmem>>, vector<16xf32>,
        tpu.vector_store %arg7[%parallel_loop3A_706], %parallel_loop3A_703 {strides = array<i32>} : memref<65536xf32, #tpu.memory_space<vmem>>, vector<16xf32>,
        %parallel_loop3A_708 = arith.constant 80 : i32
        %parallel_loop3A_709 = arith.addi %parallel_loop3A_139, %parallel_loop3A_708 : i32
        %parallel_loop3A_710 = arith.index_cast %parallel_loop3A_709 : i32 to index
        %parallel_loop3A_711 = tpu.vector_load %arg6[%parallel_loop3A_710] {strides = array<i32>} : memref<1280xf32, #tpu.memory_space<vmem>>, vector<16xf32>,
        %parallel_loop3A_712 = arith.constant 80 : i32
        %parallel_loop3A_713 = arith.addi %parallel_loop3A_667, %parallel_loop3A_712 : i32
        %parallel_loop3A_714 = arith.index_cast %parallel_loop3A_713 : i32 to index
        %parallel_loop3A_715 = tpu.vector_load %arg7[%parallel_loop3A_714] {strides = array<i32>} : memref<65536xf32, #tpu.memory_space<vmem>>, vector<16xf32>,
        tpu.vector_store %arg7[%parallel_loop3A_714], %parallel_loop3A_711 {strides = array<i32>} : memref<65536xf32, #tpu.memory_space<vmem>>, vector<16xf32>,
        %parallel_loop3A_716 = arith.constant 96 : i32
        %parallel_loop3A_717 = arith.addi %parallel_loop3A_139, %parallel_loop3A_716 : i32
        %parallel_loop3A_718 = arith.index_cast %parallel_loop3A_717 : i32 to index
        %parallel_loop3A_719 = tpu.vector_load %arg6[%parallel_loop3A_718] {strides = array<i32>} : memref<1280xf32, #tpu.memory_space<vmem>>, vector<16xf32>,
        %parallel_loop3A_720 = arith.constant 96 : i32
        %parallel_loop3A_721 = arith.addi %parallel_loop3A_667, %parallel_loop3A_720 : i32
        %parallel_loop3A_722 = arith.index_cast %parallel_loop3A_721 : i32 to index
        %parallel_loop3A_723 = tpu.vector_load %arg7[%parallel_loop3A_722] {strides = array<i32>} : memref<65536xf32, #tpu.memory_space<vmem>>, vector<16xf32>,
        tpu.vector_store %arg7[%parallel_loop3A_722], %parallel_loop3A_719 {strides = array<i32>} : memref<65536xf32, #tpu.memory_space<vmem>>, vector<16xf32>,
        %parallel_loop3A_724 = arith.constant 112 : i32
        %parallel_loop3A_725 = arith.addi %parallel_loop3A_139, %parallel_loop3A_724 : i32
        %parallel_loop3A_726 = arith.index_cast %parallel_loop3A_725 : i32 to index
        %parallel_loop3A_727 = tpu.vector_load %arg6[%parallel_loop3A_726] {strides = array<i32>} : memref<1280xf32, #tpu.memory_space<vmem>>, vector<16xf32>,
        %parallel_loop3A_728 = arith.constant 112 : i32
        %parallel_loop3A_729 = arith.addi %parallel_loop3A_667, %parallel_loop3A_728 : i32
        %parallel_loop3A_730 = arith.index_cast %parallel_loop3A_729 : i32 to index
        %parallel_loop3A_731 = tpu.vector_load %arg7[%parallel_loop3A_730] {strides = array<i32>} : memref<65536xf32, #tpu.memory_space<vmem>>, vector<16xf32>,
        tpu.vector_store %arg7[%parallel_loop3A_730], %parallel_loop3A_727 {strides = array<i32>} : memref<65536xf32, #tpu.memory_space<vmem>>, vector<16xf32>,
        %parallel_loop3A_732 = arith.constant 16 : i32
        %parallel_loop3A_733 = arith.muli %parallel_loop3A_103, %parallel_loop3A_732 : i32
        %parallel_loop3A_734 = arith.constant 8 : i32
        %parallel_loop3A_735 = arith.addi %parallel_loop3A_733, %parallel_loop3A_734 : i32
        %parallel_loop3A_736 = arith.constant 128 : i32
        %parallel_loop3A_737 = arith.muli %parallel_loop3A_735, %parallel_loop3A_736 : i32
        %parallel_loop3A_738 = arith.constant 0 : i32
        %parallel_loop3A_739 = arith.addi %parallel_loop3A_143, %parallel_loop3A_738 : i32
        %parallel_loop3A_740 = arith.index_cast %parallel_loop3A_739 : i32 to index
        %parallel_loop3A_741 = tpu.vector_load %arg6[%parallel_loop3A_740] {strides = array<i32>} : memref<1280xf32, #tpu.memory_space<vmem>>, vector<16xf32>,
        %parallel_loop3A_742 = arith.constant 0 : i32
        %parallel_loop3A_743 = arith.addi %parallel_loop3A_737, %parallel_loop3A_742 : i32
        %parallel_loop3A_744 = arith.index_cast %parallel_loop3A_743 : i32 to index
        %parallel_loop3A_745 = tpu.vector_load %arg7[%parallel_loop3A_744] {strides = array<i32>} : memref<65536xf32, #tpu.memory_space<vmem>>, vector<16xf32>,
        tpu.vector_store %arg7[%parallel_loop3A_744], %parallel_loop3A_741 {strides = array<i32>} : memref<65536xf32, #tpu.memory_space<vmem>>, vector<16xf32>,
        %parallel_loop3A_746 = arith.constant 16 : i32
        %parallel_loop3A_747 = arith.addi %parallel_loop3A_143, %parallel_loop3A_746 : i32
        %parallel_loop3A_748 = arith.index_cast %parallel_loop3A_747 : i32 to index
        %parallel_loop3A_749 = tpu.vector_load %arg6[%parallel_loop3A_748] {strides = array<i32>} : memref<1280xf32, #tpu.memory_space<vmem>>, vector<16xf32>,
        %parallel_loop3A_750 = arith.constant 16 : i32
        %parallel_loop3A_751 = arith.addi %parallel_loop3A_737, %parallel_loop3A_750 : i32
        %parallel_loop3A_752 = arith.index_cast %parallel_loop3A_751 : i32 to index
        %parallel_loop3A_753 = tpu.vector_load %arg7[%parallel_loop3A_752] {strides = array<i32>} : memref<65536xf32, #tpu.memory_space<vmem>>, vector<16xf32>,
        tpu.vector_store %arg7[%parallel_loop3A_752], %parallel_loop3A_749 {strides = array<i32>} : memref<65536xf32, #tpu.memory_space<vmem>>, vector<16xf32>,
        %parallel_loop3A_754 = arith.constant 32 : i32
        %parallel_loop3A_755 = arith.addi %parallel_loop3A_143, %parallel_loop3A_754 : i32
        %parallel_loop3A_756 = arith.index_cast %parallel_loop3A_755 : i32 to index
        %parallel_loop3A_757 = tpu.vector_load %arg6[%parallel_loop3A_756] {strides = array<i32>} : memref<1280xf32, #tpu.memory_space<vmem>>, vector<16xf32>,
        %parallel_loop3A_758 = arith.constant 32 : i32
        %parallel_loop3A_759 = arith.addi %parallel_loop3A_737, %parallel_loop3A_758 : i32
        %parallel_loop3A_760 = arith.index_cast %parallel_loop3A_759 : i32 to index
        %parallel_loop3A_761 = tpu.vector_load %arg7[%parallel_loop3A_760] {strides = array<i32>} : memref<65536xf32, #tpu.memory_space<vmem>>, vector<16xf32>,
        tpu.vector_store %arg7[%parallel_loop3A_760], %parallel_loop3A_757 {strides = array<i32>} : memref<65536xf32, #tpu.memory_space<vmem>>, vector<16xf32>,
        %parallel_loop3A_762 = arith.constant 48 : i32
        %parallel_loop3A_763 = arith.addi %parallel_loop3A_143, %parallel_loop3A_762 : i32
        %parallel_loop3A_764 = arith.index_cast %parallel_loop3A_763 : i32 to index
        %parallel_loop3A_765 = tpu.vector_load %arg6[%parallel_loop3A_764] {strides = array<i32>} : memref<1280xf32, #tpu.memory_space<vmem>>, vector<16xf32>,
        %parallel_loop3A_766 = arith.constant 48 : i32
        %parallel_loop3A_767 = arith.addi %parallel_loop3A_737, %parallel_loop3A_766 : i32
        %parallel_loop3A_768 = arith.index_cast %parallel_loop3A_767 : i32 to index
        %parallel_loop3A_769 = tpu.vector_load %arg7[%parallel_loop3A_768] {strides = array<i32>} : memref<65536xf32, #tpu.memory_space<vmem>>, vector<16xf32>,
        tpu.vector_store %arg7[%parallel_loop3A_768], %parallel_loop3A_765 {strides = array<i32>} : memref<65536xf32, #tpu.memory_space<vmem>>, vector<16xf32>,
        %parallel_loop3A_770 = arith.constant 64 : i32
        %parallel_loop3A_771 = arith.addi %parallel_loop3A_143, %parallel_loop3A_770 : i32
        %parallel_loop3A_772 = arith.index_cast %parallel_loop3A_771 : i32 to index
        %parallel_loop3A_773 = tpu.vector_load %arg6[%parallel_loop3A_772] {strides = array<i32>} : memref<1280xf32, #tpu.memory_space<vmem>>, vector<16xf32>,
        %parallel_loop3A_774 = arith.constant 64 : i32
        %parallel_loop3A_775 = arith.addi %parallel_loop3A_737, %parallel_loop3A_774 : i32
        %parallel_loop3A_776 = arith.index_cast %parallel_loop3A_775 : i32 to index
        %parallel_loop3A_777 = tpu.vector_load %arg7[%parallel_loop3A_776] {strides = array<i32>} : memref<65536xf32, #tpu.memory_space<vmem>>, vector<16xf32>,
        tpu.vector_store %arg7[%parallel_loop3A_776], %parallel_loop3A_773 {strides = array<i32>} : memref<65536xf32, #tpu.memory_space<vmem>>, vector<16xf32>,
        %parallel_loop3A_778 = arith.constant 80 : i32
        %parallel_loop3A_779 = arith.addi %parallel_loop3A_143, %parallel_loop3A_778 : i32
        %parallel_loop3A_780 = arith.index_cast %parallel_loop3A_779 : i32 to index
        %parallel_loop3A_781 = tpu.vector_load %arg6[%parallel_loop3A_780] {strides = array<i32>} : memref<1280xf32, #tpu.memory_space<vmem>>, vector<16xf32>,
        %parallel_loop3A_782 = arith.constant 80 : i32
        %parallel_loop3A_783 = arith.addi %parallel_loop3A_737, %parallel_loop3A_782 : i32
        %parallel_loop3A_784 = arith.index_cast %parallel_loop3A_783 : i32 to index
        %parallel_loop3A_785 = tpu.vector_load %arg7[%parallel_loop3A_784] {strides = array<i32>} : memref<65536xf32, #tpu.memory_space<vmem>>, vector<16xf32>,
        tpu.vector_store %arg7[%parallel_loop3A_784], %parallel_loop3A_781 {strides = array<i32>} : memref<65536xf32, #tpu.memory_space<vmem>>, vector<16xf32>,
        %parallel_loop3A_786 = arith.constant 96 : i32
        %parallel_loop3A_787 = arith.addi %parallel_loop3A_143, %parallel_loop3A_786 : i32
        %parallel_loop3A_788 = arith.index_cast %parallel_loop3A_787 : i32 to index
        %parallel_loop3A_789 = tpu.vector_load %arg6[%parallel_loop3A_788] {strides = array<i32>} : memref<1280xf32, #tpu.memory_space<vmem>>, vector<16xf32>,
        %parallel_loop3A_790 = arith.constant 96 : i32
        %parallel_loop3A_791 = arith.addi %parallel_loop3A_737, %parallel_loop3A_790 : i32
        %parallel_loop3A_792 = arith.index_cast %parallel_loop3A_791 : i32 to index
        %parallel_loop3A_793 = tpu.vector_load %arg7[%parallel_loop3A_792] {strides = array<i32>} : memref<65536xf32, #tpu.memory_space<vmem>>, vector<16xf32>,
        tpu.vector_store %arg7[%parallel_loop3A_792], %parallel_loop3A_789 {strides = array<i32>} : memref<65536xf32, #tpu.memory_space<vmem>>, vector<16xf32>,
        %parallel_loop3A_794 = arith.constant 112 : i32
        %parallel_loop3A_795 = arith.addi %parallel_loop3A_143, %parallel_loop3A_794 : i32
        %parallel_loop3A_796 = arith.index_cast %parallel_loop3A_795 : i32 to index
        %parallel_loop3A_797 = tpu.vector_load %arg6[%parallel_loop3A_796] {strides = array<i32>} : memref<1280xf32, #tpu.memory_space<vmem>>, vector<16xf32>,
        %parallel_loop3A_798 = arith.constant 112 : i32
        %parallel_loop3A_799 = arith.addi %parallel_loop3A_737, %parallel_loop3A_798 : i32
        %parallel_loop3A_800 = arith.index_cast %parallel_loop3A_799 : i32 to index
        %parallel_loop3A_801 = tpu.vector_load %arg7[%parallel_loop3A_800] {strides = array<i32>} : memref<65536xf32, #tpu.memory_space<vmem>>, vector<16xf32>,
        tpu.vector_store %arg7[%parallel_loop3A_800], %parallel_loop3A_797 {strides = array<i32>} : memref<65536xf32, #tpu.memory_space<vmem>>, vector<16xf32>,
        %parallel_loop3A_802 = arith.constant 16 : i32
        %parallel_loop3A_803 = arith.muli %parallel_loop3A_103, %parallel_loop3A_802 : i32
        %parallel_loop3A_804 = arith.constant 9 : i32
        %parallel_loop3A_805 = arith.addi %parallel_loop3A_803, %parallel_loop3A_804 : i32
        %parallel_loop3A_806 = arith.constant 128 : i32
        %parallel_loop3A_807 = arith.muli %parallel_loop3A_805, %parallel_loop3A_806 : i32
        %parallel_loop3A_808 = arith.constant 0 : i32
        %parallel_loop3A_809 = arith.addi %parallel_loop3A_147, %parallel_loop3A_808 : i32
        %parallel_loop3A_810 = arith.index_cast %parallel_loop3A_809 : i32 to index
        %parallel_loop3A_811 = tpu.vector_load %arg6[%parallel_loop3A_810] {strides = array<i32>} : memref<1280xf32, #tpu.memory_space<vmem>>, vector<16xf32>,
        %parallel_loop3A_812 = arith.constant 0 : i32
        %parallel_loop3A_813 = arith.addi %parallel_loop3A_807, %parallel_loop3A_812 : i32
        %parallel_loop3A_814 = arith.index_cast %parallel_loop3A_813 : i32 to index
        %parallel_loop3A_815 = tpu.vector_load %arg7[%parallel_loop3A_814] {strides = array<i32>} : memref<65536xf32, #tpu.memory_space<vmem>>, vector<16xf32>,
        tpu.vector_store %arg7[%parallel_loop3A_814], %parallel_loop3A_811 {strides = array<i32>} : memref<65536xf32, #tpu.memory_space<vmem>>, vector<16xf32>,
        %parallel_loop3A_816 = arith.constant 16 : i32
        %parallel_loop3A_817 = arith.addi %parallel_loop3A_147, %parallel_loop3A_816 : i32
        %parallel_loop3A_818 = arith.index_cast %parallel_loop3A_817 : i32 to index
        %parallel_loop3A_819 = tpu.vector_load %arg6[%parallel_loop3A_818] {strides = array<i32>} : memref<1280xf32, #tpu.memory_space<vmem>>, vector<16xf32>,
        %parallel_loop3A_820 = arith.constant 16 : i32
        %parallel_loop3A_821 = arith.addi %parallel_loop3A_807, %parallel_loop3A_820 : i32
        %parallel_loop3A_822 = arith.index_cast %parallel_loop3A_821 : i32 to index
        %parallel_loop3A_823 = tpu.vector_load %arg7[%parallel_loop3A_822] {strides = array<i32>} : memref<65536xf32, #tpu.memory_space<vmem>>, vector<16xf32>,
        tpu.vector_store %arg7[%parallel_loop3A_822], %parallel_loop3A_819 {strides = array<i32>} : memref<65536xf32, #tpu.memory_space<vmem>>, vector<16xf32>,
        %parallel_loop3A_824 = arith.constant 32 : i32
        %parallel_loop3A_825 = arith.addi %parallel_loop3A_147, %parallel_loop3A_824 : i32
        %parallel_loop3A_826 = arith.index_cast %parallel_loop3A_825 : i32 to index
        %parallel_loop3A_827 = tpu.vector_load %arg6[%parallel_loop3A_826] {strides = array<i32>} : memref<1280xf32, #tpu.memory_space<vmem>>, vector<16xf32>,
        %parallel_loop3A_828 = arith.constant 32 : i32
        %parallel_loop3A_829 = arith.addi %parallel_loop3A_807, %parallel_loop3A_828 : i32
        %parallel_loop3A_830 = arith.index_cast %parallel_loop3A_829 : i32 to index
        %parallel_loop3A_831 = tpu.vector_load %arg7[%parallel_loop3A_830] {strides = array<i32>} : memref<65536xf32, #tpu.memory_space<vmem>>, vector<16xf32>,
        tpu.vector_store %arg7[%parallel_loop3A_830], %parallel_loop3A_827 {strides = array<i32>} : memref<65536xf32, #tpu.memory_space<vmem>>, vector<16xf32>,
        %parallel_loop3A_832 = arith.constant 48 : i32
        %parallel_loop3A_833 = arith.addi %parallel_loop3A_147, %parallel_loop3A_832 : i32
        %parallel_loop3A_834 = arith.index_cast %parallel_loop3A_833 : i32 to index
        %parallel_loop3A_835 = tpu.vector_load %arg6[%parallel_loop3A_834] {strides = array<i32>} : memref<1280xf32, #tpu.memory_space<vmem>>, vector<16xf32>,
        %parallel_loop3A_836 = arith.constant 48 : i32
        %parallel_loop3A_837 = arith.addi %parallel_loop3A_807, %parallel_loop3A_836 : i32
        %parallel_loop3A_838 = arith.index_cast %parallel_loop3A_837 : i32 to index
        %parallel_loop3A_839 = tpu.vector_load %arg7[%parallel_loop3A_838] {strides = array<i32>} : memref<65536xf32, #tpu.memory_space<vmem>>, vector<16xf32>,
        tpu.vector_store %arg7[%parallel_loop3A_838], %parallel_loop3A_835 {strides = array<i32>} : memref<65536xf32, #tpu.memory_space<vmem>>, vector<16xf32>,
        %parallel_loop3A_840 = arith.constant 64 : i32
        %parallel_loop3A_841 = arith.addi %parallel_loop3A_147, %parallel_loop3A_840 : i32
        %parallel_loop3A_842 = arith.index_cast %parallel_loop3A_841 : i32 to index
        %parallel_loop3A_843 = tpu.vector_load %arg6[%parallel_loop3A_842] {strides = array<i32>} : memref<1280xf32, #tpu.memory_space<vmem>>, vector<16xf32>,
        %parallel_loop3A_844 = arith.constant 64 : i32
        %parallel_loop3A_845 = arith.addi %parallel_loop3A_807, %parallel_loop3A_844 : i32
        %parallel_loop3A_846 = arith.index_cast %parallel_loop3A_845 : i32 to index
        %parallel_loop3A_847 = tpu.vector_load %arg7[%parallel_loop3A_846] {strides = array<i32>} : memref<65536xf32, #tpu.memory_space<vmem>>, vector<16xf32>,
        tpu.vector_store %arg7[%parallel_loop3A_846], %parallel_loop3A_843 {strides = array<i32>} : memref<65536xf32, #tpu.memory_space<vmem>>, vector<16xf32>,
        %parallel_loop3A_848 = arith.constant 80 : i32
        %parallel_loop3A_849 = arith.addi %parallel_loop3A_147, %parallel_loop3A_848 : i32
        %parallel_loop3A_850 = arith.index_cast %parallel_loop3A_849 : i32 to index
        %parallel_loop3A_851 = tpu.vector_load %arg6[%parallel_loop3A_850] {strides = array<i32>} : memref<1280xf32, #tpu.memory_space<vmem>>, vector<16xf32>,
        %parallel_loop3A_852 = arith.constant 80 : i32
        %parallel_loop3A_853 = arith.addi %parallel_loop3A_807, %parallel_loop3A_852 : i32
        %parallel_loop3A_854 = arith.index_cast %parallel_loop3A_853 : i32 to index
        %parallel_loop3A_855 = tpu.vector_load %arg7[%parallel_loop3A_854] {strides = array<i32>} : memref<65536xf32, #tpu.memory_space<vmem>>, vector<16xf32>,
        tpu.vector_store %arg7[%parallel_loop3A_854], %parallel_loop3A_851 {strides = array<i32>} : memref<65536xf32, #tpu.memory_space<vmem>>, vector<16xf32>,
        %parallel_loop3A_856 = arith.constant 96 : i32
        %parallel_loop3A_857 = arith.addi %parallel_loop3A_147, %parallel_loop3A_856 : i32
        %parallel_loop3A_858 = arith.index_cast %parallel_loop3A_857 : i32 to index
        %parallel_loop3A_859 = tpu.vector_load %arg6[%parallel_loop3A_858] {strides = array<i32>} : memref<1280xf32, #tpu.memory_space<vmem>>, vector<16xf32>,
        %parallel_loop3A_860 = arith.constant 96 : i32
        %parallel_loop3A_861 = arith.addi %parallel_loop3A_807, %parallel_loop3A_860 : i32
        %parallel_loop3A_862 = arith.index_cast %parallel_loop3A_861 : i32 to index
        %parallel_loop3A_863 = tpu.vector_load %arg7[%parallel_loop3A_862] {strides = array<i32>} : memref<65536xf32, #tpu.memory_space<vmem>>, vector<16xf32>,
        tpu.vector_store %arg7[%parallel_loop3A_862], %parallel_loop3A_859 {strides = array<i32>} : memref<65536xf32, #tpu.memory_space<vmem>>, vector<16xf32>,
        %parallel_loop3A_864 = arith.constant 112 : i32
        %parallel_loop3A_865 = arith.addi %parallel_loop3A_147, %parallel_loop3A_864 : i32
        %parallel_loop3A_866 = arith.index_cast %parallel_loop3A_865 : i32 to index
        %parallel_loop3A_867 = tpu.vector_load %arg6[%parallel_loop3A_866] {strides = array<i32>} : memref<1280xf32, #tpu.memory_space<vmem>>, vector<16xf32>,
        %parallel_loop3A_868 = arith.constant 112 : i32
        %parallel_loop3A_869 = arith.addi %parallel_loop3A_807, %parallel_loop3A_868 : i32
        %parallel_loop3A_870 = arith.index_cast %parallel_loop3A_869 : i32 to index
        %parallel_loop3A_871 = tpu.vector_load %arg7[%parallel_loop3A_870] {strides = array<i32>} : memref<65536xf32, #tpu.memory_space<vmem>>, vector<16xf32>,
        tpu.vector_store %arg7[%parallel_loop3A_870], %parallel_loop3A_867 {strides = array<i32>} : memref<65536xf32, #tpu.memory_space<vmem>>, vector<16xf32>,
        %parallel_loop3A_872 = arith.constant 16 : i32
        %parallel_loop3A_873 = arith.muli %parallel_loop3A_103, %parallel_loop3A_872 : i32
        %parallel_loop3A_874 = arith.constant 10 : i32
        %parallel_loop3A_875 = arith.addi %parallel_loop3A_873, %parallel_loop3A_874 : i32
        %parallel_loop3A_876 = arith.constant 128 : i32
        %parallel_loop3A_877 = arith.muli %parallel_loop3A_875, %parallel_loop3A_876 : i32
        %parallel_loop3A_878 = arith.constant 0 : i32
        %parallel_loop3A_879 = arith.addi %parallel_loop3A_151, %parallel_loop3A_878 : i32
        %parallel_loop3A_880 = arith.index_cast %parallel_loop3A_879 : i32 to index
        %parallel_loop3A_881 = tpu.vector_load %arg6[%parallel_loop3A_880] {strides = array<i32>} : memref<1280xf32, #tpu.memory_space<vmem>>, vector<16xf32>,
        %parallel_loop3A_882 = arith.constant 0 : i32
        %parallel_loop3A_883 = arith.addi %parallel_loop3A_877, %parallel_loop3A_882 : i32
        %parallel_loop3A_884 = arith.index_cast %parallel_loop3A_883 : i32 to index
        %parallel_loop3A_885 = tpu.vector_load %arg7[%parallel_loop3A_884] {strides = array<i32>} : memref<65536xf32, #tpu.memory_space<vmem>>, vector<16xf32>,
        tpu.vector_store %arg7[%parallel_loop3A_884], %parallel_loop3A_881 {strides = array<i32>} : memref<65536xf32, #tpu.memory_space<vmem>>, vector<16xf32>,
        %parallel_loop3A_886 = arith.constant 16 : i32
        %parallel_loop3A_887 = arith.addi %parallel_loop3A_151, %parallel_loop3A_886 : i32
        %parallel_loop3A_888 = arith.index_cast %parallel_loop3A_887 : i32 to index
        %parallel_loop3A_889 = tpu.vector_load %arg6[%parallel_loop3A_888] {strides = array<i32>} : memref<1280xf32, #tpu.memory_space<vmem>>, vector<16xf32>,
        %parallel_loop3A_890 = arith.constant 16 : i32
        %parallel_loop3A_891 = arith.addi %parallel_loop3A_877, %parallel_loop3A_890 : i32
        %parallel_loop3A_892 = arith.index_cast %parallel_loop3A_891 : i32 to index
        %parallel_loop3A_893 = tpu.vector_load %arg7[%parallel_loop3A_892] {strides = array<i32>} : memref<65536xf32, #tpu.memory_space<vmem>>, vector<16xf32>,
        tpu.vector_store %arg7[%parallel_loop3A_892], %parallel_loop3A_889 {strides = array<i32>} : memref<65536xf32, #tpu.memory_space<vmem>>, vector<16xf32>,
        %parallel_loop3A_894 = arith.constant 32 : i32
        %parallel_loop3A_895 = arith.addi %parallel_loop3A_151, %parallel_loop3A_894 : i32
        %parallel_loop3A_896 = arith.index_cast %parallel_loop3A_895 : i32 to index
        %parallel_loop3A_897 = tpu.vector_load %arg6[%parallel_loop3A_896] {strides = array<i32>} : memref<1280xf32, #tpu.memory_space<vmem>>, vector<16xf32>,
        %parallel_loop3A_898 = arith.constant 32 : i32
        %parallel_loop3A_899 = arith.addi %parallel_loop3A_877, %parallel_loop3A_898 : i32
        %parallel_loop3A_900 = arith.index_cast %parallel_loop3A_899 : i32 to index
        %parallel_loop3A_901 = tpu.vector_load %arg7[%parallel_loop3A_900] {strides = array<i32>} : memref<65536xf32, #tpu.memory_space<vmem>>, vector<16xf32>,
        tpu.vector_store %arg7[%parallel_loop3A_900], %parallel_loop3A_897 {strides = array<i32>} : memref<65536xf32, #tpu.memory_space<vmem>>, vector<16xf32>,
        %parallel_loop3A_902 = arith.constant 48 : i32
        %parallel_loop3A_903 = arith.addi %parallel_loop3A_151, %parallel_loop3A_902 : i32
        %parallel_loop3A_904 = arith.index_cast %parallel_loop3A_903 : i32 to index
        %parallel_loop3A_905 = tpu.vector_load %arg6[%parallel_loop3A_904] {strides = array<i32>} : memref<1280xf32, #tpu.memory_space<vmem>>, vector<16xf32>,
        %parallel_loop3A_906 = arith.constant 48 : i32
        %parallel_loop3A_907 = arith.addi %parallel_loop3A_877, %parallel_loop3A_906 : i32
        %parallel_loop3A_908 = arith.index_cast %parallel_loop3A_907 : i32 to index
        %parallel_loop3A_909 = tpu.vector_load %arg7[%parallel_loop3A_908] {strides = array<i32>} : memref<65536xf32, #tpu.memory_space<vmem>>, vector<16xf32>,
        tpu.vector_store %arg7[%parallel_loop3A_908], %parallel_loop3A_905 {strides = array<i32>} : memref<65536xf32, #tpu.memory_space<vmem>>, vector<16xf32>,
        %parallel_loop3A_910 = arith.constant 64 : i32
        %parallel_loop3A_911 = arith.addi %parallel_loop3A_151, %parallel_loop3A_910 : i32
        %parallel_loop3A_912 = arith.index_cast %parallel_loop3A_911 : i32 to index
        %parallel_loop3A_913 = tpu.vector_load %arg6[%parallel_loop3A_912] {strides = array<i32>} : memref<1280xf32, #tpu.memory_space<vmem>>, vector<16xf32>,
        %parallel_loop3A_914 = arith.constant 64 : i32
        %parallel_loop3A_915 = arith.addi %parallel_loop3A_877, %parallel_loop3A_914 : i32
        %parallel_loop3A_916 = arith.index_cast %parallel_loop3A_915 : i32 to index
        %parallel_loop3A_917 = tpu.vector_load %arg7[%parallel_loop3A_916] {strides = array<i32>} : memref<65536xf32, #tpu.memory_space<vmem>>, vector<16xf32>,
        tpu.vector_store %arg7[%parallel_loop3A_916], %parallel_loop3A_913 {strides = array<i32>} : memref<65536xf32, #tpu.memory_space<vmem>>, vector<16xf32>,
        %parallel_loop3A_918 = arith.constant 80 : i32
        %parallel_loop3A_919 = arith.addi %parallel_loop3A_151, %parallel_loop3A_918 : i32
        %parallel_loop3A_920 = arith.index_cast %parallel_loop3A_919 : i32 to index
        %parallel_loop3A_921 = tpu.vector_load %arg6[%parallel_loop3A_920] {strides = array<i32>} : memref<1280xf32, #tpu.memory_space<vmem>>, vector<16xf32>,
        %parallel_loop3A_922 = arith.constant 80 : i32
        %parallel_loop3A_923 = arith.addi %parallel_loop3A_877, %parallel_loop3A_922 : i32
        %parallel_loop3A_924 = arith.index_cast %parallel_loop3A_923 : i32 to index
        %parallel_loop3A_925 = tpu.vector_load %arg7[%parallel_loop3A_924] {strides = array<i32>} : memref<65536xf32, #tpu.memory_space<vmem>>, vector<16xf32>,
        tpu.vector_store %arg7[%parallel_loop3A_924], %parallel_loop3A_921 {strides = array<i32>} : memref<65536xf32, #tpu.memory_space<vmem>>, vector<16xf32>,
        %parallel_loop3A_926 = arith.constant 96 : i32
        %parallel_loop3A_927 = arith.addi %parallel_loop3A_151, %parallel_loop3A_926 : i32
        %parallel_loop3A_928 = arith.index_cast %parallel_loop3A_927 : i32 to index
        %parallel_loop3A_929 = tpu.vector_load %arg6[%parallel_loop3A_928] {strides = array<i32>} : memref<1280xf32, #tpu.memory_space<vmem>>, vector<16xf32>,
        %parallel_loop3A_930 = arith.constant 96 : i32
        %parallel_loop3A_931 = arith.addi %parallel_loop3A_877, %parallel_loop3A_930 : i32
        %parallel_loop3A_932 = arith.index_cast %parallel_loop3A_931 : i32 to index
        %parallel_loop3A_933 = tpu.vector_load %arg7[%parallel_loop3A_932] {strides = array<i32>} : memref<65536xf32, #tpu.memory_space<vmem>>, vector<16xf32>,
        tpu.vector_store %arg7[%parallel_loop3A_932], %parallel_loop3A_929 {strides = array<i32>} : memref<65536xf32, #tpu.memory_space<vmem>>, vector<16xf32>,
        %parallel_loop3A_934 = arith.constant 112 : i32
        %parallel_loop3A_935 = arith.addi %parallel_loop3A_151, %parallel_loop3A_934 : i32
        %parallel_loop3A_936 = arith.index_cast %parallel_loop3A_935 : i32 to index
        %parallel_loop3A_937 = tpu.vector_load %arg6[%parallel_loop3A_936] {strides = array<i32>} : memref<1280xf32, #tpu.memory_space<vmem>>, vector<16xf32>,
        %parallel_loop3A_938 = arith.constant 112 : i32
        %parallel_loop3A_939 = arith.addi %parallel_loop3A_877, %parallel_loop3A_938 : i32
        %parallel_loop3A_940 = arith.index_cast %parallel_loop3A_939 : i32 to index
        %parallel_loop3A_941 = tpu.vector_load %arg7[%parallel_loop3A_940] {strides = array<i32>} : memref<65536xf32, #tpu.memory_space<vmem>>, vector<16xf32>,
        tpu.vector_store %arg7[%parallel_loop3A_940], %parallel_loop3A_937 {strides = array<i32>} : memref<65536xf32, #tpu.memory_space<vmem>>, vector<16xf32>,
        %parallel_loop3A_942 = arith.constant 16 : i32
        %parallel_loop3A_943 = arith.muli %parallel_loop3A_103, %parallel_loop3A_942 : i32
        %parallel_loop3A_944 = arith.constant 11 : i32
        %parallel_loop3A_945 = arith.addi %parallel_loop3A_943, %parallel_loop3A_944 : i32
        %parallel_loop3A_946 = arith.constant 128 : i32
        %parallel_loop3A_947 = arith.muli %parallel_loop3A_945, %parallel_loop3A_946 : i32
        %parallel_loop3A_948 = arith.constant 0 : i32
        %parallel_loop3A_949 = arith.addi %parallel_loop3A_155, %parallel_loop3A_948 : i32
        %parallel_loop3A_950 = arith.index_cast %parallel_loop3A_949 : i32 to index
        %parallel_loop3A_951 = tpu.vector_load %arg6[%parallel_loop3A_950] {strides = array<i32>} : memref<1280xf32, #tpu.memory_space<vmem>>, vector<16xf32>,
        %parallel_loop3A_952 = arith.constant 0 : i32
        %parallel_loop3A_953 = arith.addi %parallel_loop3A_947, %parallel_loop3A_952 : i32
        %parallel_loop3A_954 = arith.index_cast %parallel_loop3A_953 : i32 to index
        %parallel_loop3A_955 = tpu.vector_load %arg7[%parallel_loop3A_954] {strides = array<i32>} : memref<65536xf32, #tpu.memory_space<vmem>>, vector<16xf32>,
        tpu.vector_store %arg7[%parallel_loop3A_954], %parallel_loop3A_951 {strides = array<i32>} : memref<65536xf32, #tpu.memory_space<vmem>>, vector<16xf32>,
        %parallel_loop3A_956 = arith.constant 16 : i32
        %parallel_loop3A_957 = arith.addi %parallel_loop3A_155, %parallel_loop3A_956 : i32
        %parallel_loop3A_958 = arith.index_cast %parallel_loop3A_957 : i32 to index
        %parallel_loop3A_959 = tpu.vector_load %arg6[%parallel_loop3A_958] {strides = array<i32>} : memref<1280xf32, #tpu.memory_space<vmem>>, vector<16xf32>,
        %parallel_loop3A_960 = arith.constant 16 : i32
        %parallel_loop3A_961 = arith.addi %parallel_loop3A_947, %parallel_loop3A_960 : i32
        %parallel_loop3A_962 = arith.index_cast %parallel_loop3A_961 : i32 to index
        %parallel_loop3A_963 = tpu.vector_load %arg7[%parallel_loop3A_962] {strides = array<i32>} : memref<65536xf32, #tpu.memory_space<vmem>>, vector<16xf32>,
        tpu.vector_store %arg7[%parallel_loop3A_962], %parallel_loop3A_959 {strides = array<i32>} : memref<65536xf32, #tpu.memory_space<vmem>>, vector<16xf32>,
        %parallel_loop3A_964 = arith.constant 32 : i32
        %parallel_loop3A_965 = arith.addi %parallel_loop3A_155, %parallel_loop3A_964 : i32
        %parallel_loop3A_966 = arith.index_cast %parallel_loop3A_965 : i32 to index
        %parallel_loop3A_967 = tpu.vector_load %arg6[%parallel_loop3A_966] {strides = array<i32>} : memref<1280xf32, #tpu.memory_space<vmem>>, vector<16xf32>,
        %parallel_loop3A_968 = arith.constant 32 : i32
        %parallel_loop3A_969 = arith.addi %parallel_loop3A_947, %parallel_loop3A_968 : i32
        %parallel_loop3A_970 = arith.index_cast %parallel_loop3A_969 : i32 to index
        %parallel_loop3A_971 = tpu.vector_load %arg7[%parallel_loop3A_970] {strides = array<i32>} : memref<65536xf32, #tpu.memory_space<vmem>>, vector<16xf32>,
        tpu.vector_store %arg7[%parallel_loop3A_970], %parallel_loop3A_967 {strides = array<i32>} : memref<65536xf32, #tpu.memory_space<vmem>>, vector<16xf32>,
        %parallel_loop3A_972 = arith.constant 48 : i32
        %parallel_loop3A_973 = arith.addi %parallel_loop3A_155, %parallel_loop3A_972 : i32
        %parallel_loop3A_974 = arith.index_cast %parallel_loop3A_973 : i32 to index
        %parallel_loop3A_975 = tpu.vector_load %arg6[%parallel_loop3A_974] {strides = array<i32>} : memref<1280xf32, #tpu.memory_space<vmem>>, vector<16xf32>,
        %parallel_loop3A_976 = arith.constant 48 : i32
        %parallel_loop3A_977 = arith.addi %parallel_loop3A_947, %parallel_loop3A_976 : i32
        %parallel_loop3A_978 = arith.index_cast %parallel_loop3A_977 : i32 to index
        %parallel_loop3A_979 = tpu.vector_load %arg7[%parallel_loop3A_978] {strides = array<i32>} : memref<65536xf32, #tpu.memory_space<vmem>>, vector<16xf32>,
        tpu.vector_store %arg7[%parallel_loop3A_978], %parallel_loop3A_975 {strides = array<i32>} : memref<65536xf32, #tpu.memory_space<vmem>>, vector<16xf32>,
        %parallel_loop3A_980 = arith.constant 64 : i32
        %parallel_loop3A_981 = arith.addi %parallel_loop3A_155, %parallel_loop3A_980 : i32
        %parallel_loop3A_982 = arith.index_cast %parallel_loop3A_981 : i32 to index
        %parallel_loop3A_983 = tpu.vector_load %arg6[%parallel_loop3A_982] {strides = array<i32>} : memref<1280xf32, #tpu.memory_space<vmem>>, vector<16xf32>,
        %parallel_loop3A_984 = arith.constant 64 : i32
        %parallel_loop3A_985 = arith.addi %parallel_loop3A_947, %parallel_loop3A_984 : i32
        %parallel_loop3A_986 = arith.index_cast %parallel_loop3A_985 : i32 to index
        %parallel_loop3A_987 = tpu.vector_load %arg7[%parallel_loop3A_986] {strides = array<i32>} : memref<65536xf32, #tpu.memory_space<vmem>>, vector<16xf32>,
        tpu.vector_store %arg7[%parallel_loop3A_986], %parallel_loop3A_983 {strides = array<i32>} : memref<65536xf32, #tpu.memory_space<vmem>>, vector<16xf32>,
        %parallel_loop3A_988 = arith.constant 80 : i32
        %parallel_loop3A_989 = arith.addi %parallel_loop3A_155, %parallel_loop3A_988 : i32
        %parallel_loop3A_990 = arith.index_cast %parallel_loop3A_989 : i32 to index
        %parallel_loop3A_991 = tpu.vector_load %arg6[%parallel_loop3A_990] {strides = array<i32>} : memref<1280xf32, #tpu.memory_space<vmem>>, vector<16xf32>,
        %parallel_loop3A_992 = arith.constant 80 : i32
        %parallel_loop3A_993 = arith.addi %parallel_loop3A_947, %parallel_loop3A_992 : i32
        %parallel_loop3A_994 = arith.index_cast %parallel_loop3A_993 : i32 to index
        %parallel_loop3A_995 = tpu.vector_load %arg7[%parallel_loop3A_994] {strides = array<i32>} : memref<65536xf32, #tpu.memory_space<vmem>>, vector<16xf32>,
        tpu.vector_store %arg7[%parallel_loop3A_994], %parallel_loop3A_991 {strides = array<i32>} : memref<65536xf32, #tpu.memory_space<vmem>>, vector<16xf32>,
        %parallel_loop3A_996 = arith.constant 96 : i32
        %parallel_loop3A_997 = arith.addi %parallel_loop3A_155, %parallel_loop3A_996 : i32
        %parallel_loop3A_998 = arith.index_cast %parallel_loop3A_997 : i32 to index
        %parallel_loop3A_999 = tpu.vector_load %arg6[%parallel_loop3A_998] {strides = array<i32>} : memref<1280xf32, #tpu.memory_space<vmem>>, vector<16xf32>,
        %parallel_loop3A_1000 = arith.constant 96 : i32
        %parallel_loop3A_1001 = arith.addi %parallel_loop3A_947, %parallel_loop3A_1000 : i32
        %parallel_loop3A_1002 = arith.index_cast %parallel_loop3A_1001 : i32 to index
        %parallel_loop3A_1003 = tpu.vector_load %arg7[%parallel_loop3A_1002] {strides = array<i32>} : memref<65536xf32, #tpu.memory_space<vmem>>, vector<16xf32>,
        tpu.vector_store %arg7[%parallel_loop3A_1002], %parallel_loop3A_999 {strides = array<i32>} : memref<65536xf32, #tpu.memory_space<vmem>>, vector<16xf32>,
        %parallel_loop3A_1004 = arith.constant 112 : i32
        %parallel_loop3A_1005 = arith.addi %parallel_loop3A_155, %parallel_loop3A_1004 : i32
        %parallel_loop3A_1006 = arith.index_cast %parallel_loop3A_1005 : i32 to index
        %parallel_loop3A_1007 = tpu.vector_load %arg6[%parallel_loop3A_1006] {strides = array<i32>} : memref<1280xf32, #tpu.memory_space<vmem>>, vector<16xf32>,
        %parallel_loop3A_1008 = arith.constant 112 : i32
        %parallel_loop3A_1009 = arith.addi %parallel_loop3A_947, %parallel_loop3A_1008 : i32
        %parallel_loop3A_1010 = arith.index_cast %parallel_loop3A_1009 : i32 to index
        %parallel_loop3A_1011 = tpu.vector_load %arg7[%parallel_loop3A_1010] {strides = array<i32>} : memref<65536xf32, #tpu.memory_space<vmem>>, vector<16xf32>,
        tpu.vector_store %arg7[%parallel_loop3A_1010], %parallel_loop3A_1007 {strides = array<i32>} : memref<65536xf32, #tpu.memory_space<vmem>>, vector<16xf32>,
        %parallel_loop3A_1012 = arith.constant 16 : i32
        %parallel_loop3A_1013 = arith.muli %parallel_loop3A_103, %parallel_loop3A_1012 : i32
        %parallel_loop3A_1014 = arith.constant 12 : i32
        %parallel_loop3A_1015 = arith.addi %parallel_loop3A_1013, %parallel_loop3A_1014 : i32
        %parallel_loop3A_1016 = arith.constant 128 : i32
        %parallel_loop3A_1017 = arith.muli %parallel_loop3A_1015, %parallel_loop3A_1016 : i32
        %parallel_loop3A_1018 = arith.constant 0 : i32
        %parallel_loop3A_1019 = arith.addi %parallel_loop3A_159, %parallel_loop3A_1018 : i32
        %parallel_loop3A_1020 = arith.index_cast %parallel_loop3A_1019 : i32 to index
        %parallel_loop3A_1021 = tpu.vector_load %arg6[%parallel_loop3A_1020] {strides = array<i32>} : memref<1280xf32, #tpu.memory_space<vmem>>, vector<16xf32>,
        %parallel_loop3A_1022 = arith.constant 0 : i32
        %parallel_loop3A_1023 = arith.addi %parallel_loop3A_1017, %parallel_loop3A_1022 : i32
        %parallel_loop3A_1024 = arith.index_cast %parallel_loop3A_1023 : i32 to index
        %parallel_loop3A_1025 = tpu.vector_load %arg7[%parallel_loop3A_1024] {strides = array<i32>} : memref<65536xf32, #tpu.memory_space<vmem>>, vector<16xf32>,
        tpu.vector_store %arg7[%parallel_loop3A_1024], %parallel_loop3A_1021 {strides = array<i32>} : memref<65536xf32, #tpu.memory_space<vmem>>, vector<16xf32>,
        %parallel_loop3A_1026 = arith.constant 16 : i32
        %parallel_loop3A_1027 = arith.addi %parallel_loop3A_159, %parallel_loop3A_1026 : i32
        %parallel_loop3A_1028 = arith.index_cast %parallel_loop3A_1027 : i32 to index
        %parallel_loop3A_1029 = tpu.vector_load %arg6[%parallel_loop3A_1028] {strides = array<i32>} : memref<1280xf32, #tpu.memory_space<vmem>>, vector<16xf32>,
        %parallel_loop3A_1030 = arith.constant 16 : i32
        %parallel_loop3A_1031 = arith.addi %parallel_loop3A_1017, %parallel_loop3A_1030 : i32
        %parallel_loop3A_1032 = arith.index_cast %parallel_loop3A_1031 : i32 to index
        %parallel_loop3A_1033 = tpu.vector_load %arg7[%parallel_loop3A_1032] {strides = array<i32>} : memref<65536xf32, #tpu.memory_space<vmem>>, vector<16xf32>,
        tpu.vector_store %arg7[%parallel_loop3A_1032], %parallel_loop3A_1029 {strides = array<i32>} : memref<65536xf32, #tpu.memory_space<vmem>>, vector<16xf32>,
        %parallel_loop3A_1034 = arith.constant 32 : i32
        %parallel_loop3A_1035 = arith.addi %parallel_loop3A_159, %parallel_loop3A_1034 : i32
        %parallel_loop3A_1036 = arith.index_cast %parallel_loop3A_1035 : i32 to index
        %parallel_loop3A_1037 = tpu.vector_load %arg6[%parallel_loop3A_1036] {strides = array<i32>} : memref<1280xf32, #tpu.memory_space<vmem>>, vector<16xf32>,
        %parallel_loop3A_1038 = arith.constant 32 : i32
        %parallel_loop3A_1039 = arith.addi %parallel_loop3A_1017, %parallel_loop3A_1038 : i32
        %parallel_loop3A_1040 = arith.index_cast %parallel_loop3A_1039 : i32 to index
        %parallel_loop3A_1041 = tpu.vector_load %arg7[%parallel_loop3A_1040] {strides = array<i32>} : memref<65536xf32, #tpu.memory_space<vmem>>, vector<16xf32>,
        tpu.vector_store %arg7[%parallel_loop3A_1040], %parallel_loop3A_1037 {strides = array<i32>} : memref<65536xf32, #tpu.memory_space<vmem>>, vector<16xf32>,
        %parallel_loop3A_1042 = arith.constant 48 : i32
        %parallel_loop3A_1043 = arith.addi %parallel_loop3A_159, %parallel_loop3A_1042 : i32
        %parallel_loop3A_1044 = arith.index_cast %parallel_loop3A_1043 : i32 to index
        %parallel_loop3A_1045 = tpu.vector_load %arg6[%parallel_loop3A_1044] {strides = array<i32>} : memref<1280xf32, #tpu.memory_space<vmem>>, vector<16xf32>,
        %parallel_loop3A_1046 = arith.constant 48 : i32
        %parallel_loop3A_1047 = arith.addi %parallel_loop3A_1017, %parallel_loop3A_1046 : i32
        %parallel_loop3A_1048 = arith.index_cast %parallel_loop3A_1047 : i32 to index
        %parallel_loop3A_1049 = tpu.vector_load %arg7[%parallel_loop3A_1048] {strides = array<i32>} : memref<65536xf32, #tpu.memory_space<vmem>>, vector<16xf32>,
        tpu.vector_store %arg7[%parallel_loop3A_1048], %parallel_loop3A_1045 {strides = array<i32>} : memref<65536xf32, #tpu.memory_space<vmem>>, vector<16xf32>,
        %parallel_loop3A_1050 = arith.constant 64 : i32
        %parallel_loop3A_1051 = arith.addi %parallel_loop3A_159, %parallel_loop3A_1050 : i32
        %parallel_loop3A_1052 = arith.index_cast %parallel_loop3A_1051 : i32 to index
        %parallel_loop3A_1053 = tpu.vector_load %arg6[%parallel_loop3A_1052] {strides = array<i32>} : memref<1280xf32, #tpu.memory_space<vmem>>, vector<16xf32>,
        %parallel_loop3A_1054 = arith.constant 64 : i32
        %parallel_loop3A_1055 = arith.addi %parallel_loop3A_1017, %parallel_loop3A_1054 : i32
        %parallel_loop3A_1056 = arith.index_cast %parallel_loop3A_1055 : i32 to index
        %parallel_loop3A_1057 = tpu.vector_load %arg7[%parallel_loop3A_1056] {strides = array<i32>} : memref<65536xf32, #tpu.memory_space<vmem>>, vector<16xf32>,
        tpu.vector_store %arg7[%parallel_loop3A_1056], %parallel_loop3A_1053 {strides = array<i32>} : memref<65536xf32, #tpu.memory_space<vmem>>, vector<16xf32>,
        %parallel_loop3A_1058 = arith.constant 80 : i32
        %parallel_loop3A_1059 = arith.addi %parallel_loop3A_159, %parallel_loop3A_1058 : i32
        %parallel_loop3A_1060 = arith.index_cast %parallel_loop3A_1059 : i32 to index
        %parallel_loop3A_1061 = tpu.vector_load %arg6[%parallel_loop3A_1060] {strides = array<i32>} : memref<1280xf32, #tpu.memory_space<vmem>>, vector<16xf32>,
        %parallel_loop3A_1062 = arith.constant 80 : i32
        %parallel_loop3A_1063 = arith.addi %parallel_loop3A_1017, %parallel_loop3A_1062 : i32
        %parallel_loop3A_1064 = arith.index_cast %parallel_loop3A_1063 : i32 to index
        %parallel_loop3A_1065 = tpu.vector_load %arg7[%parallel_loop3A_1064] {strides = array<i32>} : memref<65536xf32, #tpu.memory_space<vmem>>, vector<16xf32>,
        tpu.vector_store %arg7[%parallel_loop3A_1064], %parallel_loop3A_1061 {strides = array<i32>} : memref<65536xf32, #tpu.memory_space<vmem>>, vector<16xf32>,
        %parallel_loop3A_1066 = arith.constant 96 : i32
        %parallel_loop3A_1067 = arith.addi %parallel_loop3A_159, %parallel_loop3A_1066 : i32
        %parallel_loop3A_1068 = arith.index_cast %parallel_loop3A_1067 : i32 to index
        %parallel_loop3A_1069 = tpu.vector_load %arg6[%parallel_loop3A_1068] {strides = array<i32>} : memref<1280xf32, #tpu.memory_space<vmem>>, vector<16xf32>,
        %parallel_loop3A_1070 = arith.constant 96 : i32
        %parallel_loop3A_1071 = arith.addi %parallel_loop3A_1017, %parallel_loop3A_1070 : i32
        %parallel_loop3A_1072 = arith.index_cast %parallel_loop3A_1071 : i32 to index
        %parallel_loop3A_1073 = tpu.vector_load %arg7[%parallel_loop3A_1072] {strides = array<i32>} : memref<65536xf32, #tpu.memory_space<vmem>>, vector<16xf32>,
        tpu.vector_store %arg7[%parallel_loop3A_1072], %parallel_loop3A_1069 {strides = array<i32>} : memref<65536xf32, #tpu.memory_space<vmem>>, vector<16xf32>,
        %parallel_loop3A_1074 = arith.constant 112 : i32
        %parallel_loop3A_1075 = arith.addi %parallel_loop3A_159, %parallel_loop3A_1074 : i32
        %parallel_loop3A_1076 = arith.index_cast %parallel_loop3A_1075 : i32 to index
        %parallel_loop3A_1077 = tpu.vector_load %arg6[%parallel_loop3A_1076] {strides = array<i32>} : memref<1280xf32, #tpu.memory_space<vmem>>, vector<16xf32>,
        %parallel_loop3A_1078 = arith.constant 112 : i32
        %parallel_loop3A_1079 = arith.addi %parallel_loop3A_1017, %parallel_loop3A_1078 : i32
        %parallel_loop3A_1080 = arith.index_cast %parallel_loop3A_1079 : i32 to index
        %parallel_loop3A_1081 = tpu.vector_load %arg7[%parallel_loop3A_1080] {strides = array<i32>} : memref<65536xf32, #tpu.memory_space<vmem>>, vector<16xf32>,
        tpu.vector_store %arg7[%parallel_loop3A_1080], %parallel_loop3A_1077 {strides = array<i32>} : memref<65536xf32, #tpu.memory_space<vmem>>, vector<16xf32>,
        %parallel_loop3A_1082 = arith.constant 16 : i32
        %parallel_loop3A_1083 = arith.muli %parallel_loop3A_103, %parallel_loop3A_1082 : i32
        %parallel_loop3A_1084 = arith.constant 13 : i32
        %parallel_loop3A_1085 = arith.addi %parallel_loop3A_1083, %parallel_loop3A_1084 : i32
        %parallel_loop3A_1086 = arith.constant 128 : i32
        %parallel_loop3A_1087 = arith.muli %parallel_loop3A_1085, %parallel_loop3A_1086 : i32
        %parallel_loop3A_1088 = arith.constant 0 : i32
        %parallel_loop3A_1089 = arith.addi %parallel_loop3A_163, %parallel_loop3A_1088 : i32
        %parallel_loop3A_1090 = arith.index_cast %parallel_loop3A_1089 : i32 to index
        %parallel_loop3A_1091 = tpu.vector_load %arg6[%parallel_loop3A_1090] {strides = array<i32>} : memref<1280xf32, #tpu.memory_space<vmem>>, vector<16xf32>,
        %parallel_loop3A_1092 = arith.constant 0 : i32
        %parallel_loop3A_1093 = arith.addi %parallel_loop3A_1087, %parallel_loop3A_1092 : i32
        %parallel_loop3A_1094 = arith.index_cast %parallel_loop3A_1093 : i32 to index
        %parallel_loop3A_1095 = tpu.vector_load %arg7[%parallel_loop3A_1094] {strides = array<i32>} : memref<65536xf32, #tpu.memory_space<vmem>>, vector<16xf32>,
        tpu.vector_store %arg7[%parallel_loop3A_1094], %parallel_loop3A_1091 {strides = array<i32>} : memref<65536xf32, #tpu.memory_space<vmem>>, vector<16xf32>,
        %parallel_loop3A_1096 = arith.constant 16 : i32
        %parallel_loop3A_1097 = arith.addi %parallel_loop3A_163, %parallel_loop3A_1096 : i32
        %parallel_loop3A_1098 = arith.index_cast %parallel_loop3A_1097 : i32 to index
        %parallel_loop3A_1099 = tpu.vector_load %arg6[%parallel_loop3A_1098] {strides = array<i32>} : memref<1280xf32, #tpu.memory_space<vmem>>, vector<16xf32>,
        %parallel_loop3A_1100 = arith.constant 16 : i32
        %parallel_loop3A_1101 = arith.addi %parallel_loop3A_1087, %parallel_loop3A_1100 : i32
        %parallel_loop3A_1102 = arith.index_cast %parallel_loop3A_1101 : i32 to index
        %parallel_loop3A_1103 = tpu.vector_load %arg7[%parallel_loop3A_1102] {strides = array<i32>} : memref<65536xf32, #tpu.memory_space<vmem>>, vector<16xf32>,
        tpu.vector_store %arg7[%parallel_loop3A_1102], %parallel_loop3A_1099 {strides = array<i32>} : memref<65536xf32, #tpu.memory_space<vmem>>, vector<16xf32>,
        %parallel_loop3A_1104 = arith.constant 32 : i32
        %parallel_loop3A_1105 = arith.addi %parallel_loop3A_163, %parallel_loop3A_1104 : i32
        %parallel_loop3A_1106 = arith.index_cast %parallel_loop3A_1105 : i32 to index
        %parallel_loop3A_1107 = tpu.vector_load %arg6[%parallel_loop3A_1106] {strides = array<i32>} : memref<1280xf32, #tpu.memory_space<vmem>>, vector<16xf32>,
        %parallel_loop3A_1108 = arith.constant 32 : i32
        %parallel_loop3A_1109 = arith.addi %parallel_loop3A_1087, %parallel_loop3A_1108 : i32
        %parallel_loop3A_1110 = arith.index_cast %parallel_loop3A_1109 : i32 to index
        %parallel_loop3A_1111 = tpu.vector_load %arg7[%parallel_loop3A_1110] {strides = array<i32>} : memref<65536xf32, #tpu.memory_space<vmem>>, vector<16xf32>,
        tpu.vector_store %arg7[%parallel_loop3A_1110], %parallel_loop3A_1107 {strides = array<i32>} : memref<65536xf32, #tpu.memory_space<vmem>>, vector<16xf32>,
        %parallel_loop3A_1112 = arith.constant 48 : i32
        %parallel_loop3A_1113 = arith.addi %parallel_loop3A_163, %parallel_loop3A_1112 : i32
        %parallel_loop3A_1114 = arith.index_cast %parallel_loop3A_1113 : i32 to index
        %parallel_loop3A_1115 = tpu.vector_load %arg6[%parallel_loop3A_1114] {strides = array<i32>} : memref<1280xf32, #tpu.memory_space<vmem>>, vector<16xf32>,
        %parallel_loop3A_1116 = arith.constant 48 : i32
        %parallel_loop3A_1117 = arith.addi %parallel_loop3A_1087, %parallel_loop3A_1116 : i32
        %parallel_loop3A_1118 = arith.index_cast %parallel_loop3A_1117 : i32 to index
        %parallel_loop3A_1119 = tpu.vector_load %arg7[%parallel_loop3A_1118] {strides = array<i32>} : memref<65536xf32, #tpu.memory_space<vmem>>, vector<16xf32>,
        tpu.vector_store %arg7[%parallel_loop3A_1118], %parallel_loop3A_1115 {strides = array<i32>} : memref<65536xf32, #tpu.memory_space<vmem>>, vector<16xf32>,
        %parallel_loop3A_1120 = arith.constant 64 : i32
        %parallel_loop3A_1121 = arith.addi %parallel_loop3A_163, %parallel_loop3A_1120 : i32
        %parallel_loop3A_1122 = arith.index_cast %parallel_loop3A_1121 : i32 to index
        %parallel_loop3A_1123 = tpu.vector_load %arg6[%parallel_loop3A_1122] {strides = array<i32>} : memref<1280xf32, #tpu.memory_space<vmem>>, vector<16xf32>,
        %parallel_loop3A_1124 = arith.constant 64 : i32
        %parallel_loop3A_1125 = arith.addi %parallel_loop3A_1087, %parallel_loop3A_1124 : i32
        %parallel_loop3A_1126 = arith.index_cast %parallel_loop3A_1125 : i32 to index
        %parallel_loop3A_1127 = tpu.vector_load %arg7[%parallel_loop3A_1126] {strides = array<i32>} : memref<65536xf32, #tpu.memory_space<vmem>>, vector<16xf32>,
        tpu.vector_store %arg7[%parallel_loop3A_1126], %parallel_loop3A_1123 {strides = array<i32>} : memref<65536xf32, #tpu.memory_space<vmem>>, vector<16xf32>,
        %parallel_loop3A_1128 = arith.constant 80 : i32
        %parallel_loop3A_1129 = arith.addi %parallel_loop3A_163, %parallel_loop3A_1128 : i32
        %parallel_loop3A_1130 = arith.index_cast %parallel_loop3A_1129 : i32 to index
        %parallel_loop3A_1131 = tpu.vector_load %arg6[%parallel_loop3A_1130] {strides = array<i32>} : memref<1280xf32, #tpu.memory_space<vmem>>, vector<16xf32>,
        %parallel_loop3A_1132 = arith.constant 80 : i32
        %parallel_loop3A_1133 = arith.addi %parallel_loop3A_1087, %parallel_loop3A_1132 : i32
        %parallel_loop3A_1134 = arith.index_cast %parallel_loop3A_1133 : i32 to index
        %parallel_loop3A_1135 = tpu.vector_load %arg7[%parallel_loop3A_1134] {strides = array<i32>} : memref<65536xf32, #tpu.memory_space<vmem>>, vector<16xf32>,
        tpu.vector_store %arg7[%parallel_loop3A_1134], %parallel_loop3A_1131 {strides = array<i32>} : memref<65536xf32, #tpu.memory_space<vmem>>, vector<16xf32>,
        %parallel_loop3A_1136 = arith.constant 96 : i32
        %parallel_loop3A_1137 = arith.addi %parallel_loop3A_163, %parallel_loop3A_1136 : i32
        %parallel_loop3A_1138 = arith.index_cast %parallel_loop3A_1137 : i32 to index
        %parallel_loop3A_1139 = tpu.vector_load %arg6[%parallel_loop3A_1138] {strides = array<i32>} : memref<1280xf32, #tpu.memory_space<vmem>>, vector<16xf32>,
        %parallel_loop3A_1140 = arith.constant 96 : i32
        %parallel_loop3A_1141 = arith.addi %parallel_loop3A_1087, %parallel_loop3A_1140 : i32
        %parallel_loop3A_1142 = arith.index_cast %parallel_loop3A_1141 : i32 to index
        %parallel_loop3A_1143 = tpu.vector_load %arg7[%parallel_loop3A_1142] {strides = array<i32>} : memref<65536xf32, #tpu.memory_space<vmem>>, vector<16xf32>,
        tpu.vector_store %arg7[%parallel_loop3A_1142], %parallel_loop3A_1139 {strides = array<i32>} : memref<65536xf32, #tpu.memory_space<vmem>>, vector<16xf32>,
        %parallel_loop3A_1144 = arith.constant 112 : i32
        %parallel_loop3A_1145 = arith.addi %parallel_loop3A_163, %parallel_loop3A_1144 : i32
        %parallel_loop3A_1146 = arith.index_cast %parallel_loop3A_1145 : i32 to index
        %parallel_loop3A_1147 = tpu.vector_load %arg6[%parallel_loop3A_1146] {strides = array<i32>} : memref<1280xf32, #tpu.memory_space<vmem>>, vector<16xf32>,
        %parallel_loop3A_1148 = arith.constant 112 : i32
        %parallel_loop3A_1149 = arith.addi %parallel_loop3A_1087, %parallel_loop3A_1148 : i32
        %parallel_loop3A_1150 = arith.index_cast %parallel_loop3A_1149 : i32 to index
        %parallel_loop3A_1151 = tpu.vector_load %arg7[%parallel_loop3A_1150] {strides = array<i32>} : memref<65536xf32, #tpu.memory_space<vmem>>, vector<16xf32>,
        tpu.vector_store %arg7[%parallel_loop3A_1150], %parallel_loop3A_1147 {strides = array<i32>} : memref<65536xf32, #tpu.memory_space<vmem>>, vector<16xf32>,
        %parallel_loop3A_1152 = arith.constant 16 : i32
        %parallel_loop3A_1153 = arith.muli %parallel_loop3A_103, %parallel_loop3A_1152 : i32
        %parallel_loop3A_1154 = arith.constant 14 : i32
        %parallel_loop3A_1155 = arith.addi %parallel_loop3A_1153, %parallel_loop3A_1154 : i32
        %parallel_loop3A_1156 = arith.constant 128 : i32
        %parallel_loop3A_1157 = arith.muli %parallel_loop3A_1155, %parallel_loop3A_1156 : i32
        %parallel_loop3A_1158 = arith.constant 0 : i32
        %parallel_loop3A_1159 = arith.addi %parallel_loop3A_167, %parallel_loop3A_1158 : i32
        %parallel_loop3A_1160 = arith.index_cast %parallel_loop3A_1159 : i32 to index
        %parallel_loop3A_1161 = tpu.vector_load %arg6[%parallel_loop3A_1160] {strides = array<i32>} : memref<1280xf32, #tpu.memory_space<vmem>>, vector<16xf32>,
        %parallel_loop3A_1162 = arith.constant 0 : i32
        %parallel_loop3A_1163 = arith.addi %parallel_loop3A_1157, %parallel_loop3A_1162 : i32
        %parallel_loop3A_1164 = arith.index_cast %parallel_loop3A_1163 : i32 to index
        %parallel_loop3A_1165 = tpu.vector_load %arg7[%parallel_loop3A_1164] {strides = array<i32>} : memref<65536xf32, #tpu.memory_space<vmem>>, vector<16xf32>,
        tpu.vector_store %arg7[%parallel_loop3A_1164], %parallel_loop3A_1161 {strides = array<i32>} : memref<65536xf32, #tpu.memory_space<vmem>>, vector<16xf32>,
        %parallel_loop3A_1166 = arith.constant 16 : i32
        %parallel_loop3A_1167 = arith.addi %parallel_loop3A_167, %parallel_loop3A_1166 : i32
        %parallel_loop3A_1168 = arith.index_cast %parallel_loop3A_1167 : i32 to index
        %parallel_loop3A_1169 = tpu.vector_load %arg6[%parallel_loop3A_1168] {strides = array<i32>} : memref<1280xf32, #tpu.memory_space<vmem>>, vector<16xf32>,
        %parallel_loop3A_1170 = arith.constant 16 : i32
        %parallel_loop3A_1171 = arith.addi %parallel_loop3A_1157, %parallel_loop3A_1170 : i32
        %parallel_loop3A_1172 = arith.index_cast %parallel_loop3A_1171 : i32 to index
        %parallel_loop3A_1173 = tpu.vector_load %arg7[%parallel_loop3A_1172] {strides = array<i32>} : memref<65536xf32, #tpu.memory_space<vmem>>, vector<16xf32>,
        tpu.vector_store %arg7[%parallel_loop3A_1172], %parallel_loop3A_1169 {strides = array<i32>} : memref<65536xf32, #tpu.memory_space<vmem>>, vector<16xf32>,
        %parallel_loop3A_1174 = arith.constant 32 : i32
        %parallel_loop3A_1175 = arith.addi %parallel_loop3A_167, %parallel_loop3A_1174 : i32
        %parallel_loop3A_1176 = arith.index_cast %parallel_loop3A_1175 : i32 to index
        %parallel_loop3A_1177 = tpu.vector_load %arg6[%parallel_loop3A_1176] {strides = array<i32>} : memref<1280xf32, #tpu.memory_space<vmem>>, vector<16xf32>,
        %parallel_loop3A_1178 = arith.constant 32 : i32
        %parallel_loop3A_1179 = arith.addi %parallel_loop3A_1157, %parallel_loop3A_1178 : i32
        %parallel_loop3A_1180 = arith.index_cast %parallel_loop3A_1179 : i32 to index
        %parallel_loop3A_1181 = tpu.vector_load %arg7[%parallel_loop3A_1180] {strides = array<i32>} : memref<65536xf32, #tpu.memory_space<vmem>>, vector<16xf32>,
        tpu.vector_store %arg7[%parallel_loop3A_1180], %parallel_loop3A_1177 {strides = array<i32>} : memref<65536xf32, #tpu.memory_space<vmem>>, vector<16xf32>,
        %parallel_loop3A_1182 = arith.constant 48 : i32
        %parallel_loop3A_1183 = arith.addi %parallel_loop3A_167, %parallel_loop3A_1182 : i32
        %parallel_loop3A_1184 = arith.index_cast %parallel_loop3A_1183 : i32 to index
        %parallel_loop3A_1185 = tpu.vector_load %arg6[%parallel_loop3A_1184] {strides = array<i32>} : memref<1280xf32, #tpu.memory_space<vmem>>, vector<16xf32>,
        %parallel_loop3A_1186 = arith.constant 48 : i32
        %parallel_loop3A_1187 = arith.addi %parallel_loop3A_1157, %parallel_loop3A_1186 : i32
        %parallel_loop3A_1188 = arith.index_cast %parallel_loop3A_1187 : i32 to index
        %parallel_loop3A_1189 = tpu.vector_load %arg7[%parallel_loop3A_1188] {strides = array<i32>} : memref<65536xf32, #tpu.memory_space<vmem>>, vector<16xf32>,
        tpu.vector_store %arg7[%parallel_loop3A_1188], %parallel_loop3A_1185 {strides = array<i32>} : memref<65536xf32, #tpu.memory_space<vmem>>, vector<16xf32>,
        %parallel_loop3A_1190 = arith.constant 64 : i32
        %parallel_loop3A_1191 = arith.addi %parallel_loop3A_167, %parallel_loop3A_1190 : i32
        %parallel_loop3A_1192 = arith.index_cast %parallel_loop3A_1191 : i32 to index
        %parallel_loop3A_1193 = tpu.vector_load %arg6[%parallel_loop3A_1192] {strides = array<i32>} : memref<1280xf32, #tpu.memory_space<vmem>>, vector<16xf32>,
        %parallel_loop3A_1194 = arith.constant 64 : i32
        %parallel_loop3A_1195 = arith.addi %parallel_loop3A_1157, %parallel_loop3A_1194 : i32
        %parallel_loop3A_1196 = arith.index_cast %parallel_loop3A_1195 : i32 to index
        %parallel_loop3A_1197 = tpu.vector_load %arg7[%parallel_loop3A_1196] {strides = array<i32>} : memref<65536xf32, #tpu.memory_space<vmem>>, vector<16xf32>,
        tpu.vector_store %arg7[%parallel_loop3A_1196], %parallel_loop3A_1193 {strides = array<i32>} : memref<65536xf32, #tpu.memory_space<vmem>>, vector<16xf32>,
        %parallel_loop3A_1198 = arith.constant 80 : i32
        %parallel_loop3A_1199 = arith.addi %parallel_loop3A_167, %parallel_loop3A_1198 : i32
        %parallel_loop3A_1200 = arith.index_cast %parallel_loop3A_1199 : i32 to index
        %parallel_loop3A_1201 = tpu.vector_load %arg6[%parallel_loop3A_1200] {strides = array<i32>} : memref<1280xf32, #tpu.memory_space<vmem>>, vector<16xf32>,
        %parallel_loop3A_1202 = arith.constant 80 : i32
        %parallel_loop3A_1203 = arith.addi %parallel_loop3A_1157, %parallel_loop3A_1202 : i32
        %parallel_loop3A_1204 = arith.index_cast %parallel_loop3A_1203 : i32 to index
        %parallel_loop3A_1205 = tpu.vector_load %arg7[%parallel_loop3A_1204] {strides = array<i32>} : memref<65536xf32, #tpu.memory_space<vmem>>, vector<16xf32>,
        tpu.vector_store %arg7[%parallel_loop3A_1204], %parallel_loop3A_1201 {strides = array<i32>} : memref<65536xf32, #tpu.memory_space<vmem>>, vector<16xf32>,
        %parallel_loop3A_1206 = arith.constant 96 : i32
        %parallel_loop3A_1207 = arith.addi %parallel_loop3A_167, %parallel_loop3A_1206 : i32
        %parallel_loop3A_1208 = arith.index_cast %parallel_loop3A_1207 : i32 to index
        %parallel_loop3A_1209 = tpu.vector_load %arg6[%parallel_loop3A_1208] {strides = array<i32>} : memref<1280xf32, #tpu.memory_space<vmem>>, vector<16xf32>,
        %parallel_loop3A_1210 = arith.constant 96 : i32
        %parallel_loop3A_1211 = arith.addi %parallel_loop3A_1157, %parallel_loop3A_1210 : i32
        %parallel_loop3A_1212 = arith.index_cast %parallel_loop3A_1211 : i32 to index
        %parallel_loop3A_1213 = tpu.vector_load %arg7[%parallel_loop3A_1212] {strides = array<i32>} : memref<65536xf32, #tpu.memory_space<vmem>>, vector<16xf32>,
        tpu.vector_store %arg7[%parallel_loop3A_1212], %parallel_loop3A_1209 {strides = array<i32>} : memref<65536xf32, #tpu.memory_space<vmem>>, vector<16xf32>,
        %parallel_loop3A_1214 = arith.constant 112 : i32
        %parallel_loop3A_1215 = arith.addi %parallel_loop3A_167, %parallel_loop3A_1214 : i32
        %parallel_loop3A_1216 = arith.index_cast %parallel_loop3A_1215 : i32 to index
        %parallel_loop3A_1217 = tpu.vector_load %arg6[%parallel_loop3A_1216] {strides = array<i32>} : memref<1280xf32, #tpu.memory_space<vmem>>, vector<16xf32>,
        %parallel_loop3A_1218 = arith.constant 112 : i32
        %parallel_loop3A_1219 = arith.addi %parallel_loop3A_1157, %parallel_loop3A_1218 : i32
        %parallel_loop3A_1220 = arith.index_cast %parallel_loop3A_1219 : i32 to index
        %parallel_loop3A_1221 = tpu.vector_load %arg7[%parallel_loop3A_1220] {strides = array<i32>} : memref<65536xf32, #tpu.memory_space<vmem>>, vector<16xf32>,
        tpu.vector_store %arg7[%parallel_loop3A_1220], %parallel_loop3A_1217 {strides = array<i32>} : memref<65536xf32, #tpu.memory_space<vmem>>, vector<16xf32>,
        %parallel_loop3A_1222 = arith.constant 16 : i32
        %parallel_loop3A_1223 = arith.muli %parallel_loop3A_103, %parallel_loop3A_1222 : i32
        %parallel_loop3A_1224 = arith.constant 15 : i32
        %parallel_loop3A_1225 = arith.addi %parallel_loop3A_1223, %parallel_loop3A_1224 : i32
        %parallel_loop3A_1226 = arith.constant 128 : i32
        %parallel_loop3A_1227 = arith.muli %parallel_loop3A_1225, %parallel_loop3A_1226 : i32
        %parallel_loop3A_1228 = arith.constant 0 : i32
        %parallel_loop3A_1229 = arith.addi %parallel_loop3A_171, %parallel_loop3A_1228 : i32
        %parallel_loop3A_1230 = arith.index_cast %parallel_loop3A_1229 : i32 to index
        %parallel_loop3A_1231 = tpu.vector_load %arg6[%parallel_loop3A_1230] {strides = array<i32>} : memref<1280xf32, #tpu.memory_space<vmem>>, vector<16xf32>,
        %parallel_loop3A_1232 = arith.constant 0 : i32
        %parallel_loop3A_1233 = arith.addi %parallel_loop3A_1227, %parallel_loop3A_1232 : i32
        %parallel_loop3A_1234 = arith.index_cast %parallel_loop3A_1233 : i32 to index
        %parallel_loop3A_1235 = tpu.vector_load %arg7[%parallel_loop3A_1234] {strides = array<i32>} : memref<65536xf32, #tpu.memory_space<vmem>>, vector<16xf32>,
        tpu.vector_store %arg7[%parallel_loop3A_1234], %parallel_loop3A_1231 {strides = array<i32>} : memref<65536xf32, #tpu.memory_space<vmem>>, vector<16xf32>,
        %parallel_loop3A_1236 = arith.constant 16 : i32
        %parallel_loop3A_1237 = arith.addi %parallel_loop3A_171, %parallel_loop3A_1236 : i32
        %parallel_loop3A_1238 = arith.index_cast %parallel_loop3A_1237 : i32 to index
        %parallel_loop3A_1239 = tpu.vector_load %arg6[%parallel_loop3A_1238] {strides = array<i32>} : memref<1280xf32, #tpu.memory_space<vmem>>, vector<16xf32>,
        %parallel_loop3A_1240 = arith.constant 16 : i32
        %parallel_loop3A_1241 = arith.addi %parallel_loop3A_1227, %parallel_loop3A_1240 : i32
        %parallel_loop3A_1242 = arith.index_cast %parallel_loop3A_1241 : i32 to index
        %parallel_loop3A_1243 = tpu.vector_load %arg7[%parallel_loop3A_1242] {strides = array<i32>} : memref<65536xf32, #tpu.memory_space<vmem>>, vector<16xf32>,
        tpu.vector_store %arg7[%parallel_loop3A_1242], %parallel_loop3A_1239 {strides = array<i32>} : memref<65536xf32, #tpu.memory_space<vmem>>, vector<16xf32>,
        %parallel_loop3A_1244 = arith.constant 32 : i32
        %parallel_loop3A_1245 = arith.addi %parallel_loop3A_171, %parallel_loop3A_1244 : i32
        %parallel_loop3A_1246 = arith.index_cast %parallel_loop3A_1245 : i32 to index
        %parallel_loop3A_1247 = tpu.vector_load %arg6[%parallel_loop3A_1246] {strides = array<i32>} : memref<1280xf32, #tpu.memory_space<vmem>>, vector<16xf32>,
        %parallel_loop3A_1248 = arith.constant 32 : i32
        %parallel_loop3A_1249 = arith.addi %parallel_loop3A_1227, %parallel_loop3A_1248 : i32
        %parallel_loop3A_1250 = arith.index_cast %parallel_loop3A_1249 : i32 to index
        %parallel_loop3A_1251 = tpu.vector_load %arg7[%parallel_loop3A_1250] {strides = array<i32>} : memref<65536xf32, #tpu.memory_space<vmem>>, vector<16xf32>,
        tpu.vector_store %arg7[%parallel_loop3A_1250], %parallel_loop3A_1247 {strides = array<i32>} : memref<65536xf32, #tpu.memory_space<vmem>>, vector<16xf32>,
        %parallel_loop3A_1252 = arith.constant 48 : i32
        %parallel_loop3A_1253 = arith.addi %parallel_loop3A_171, %parallel_loop3A_1252 : i32
        %parallel_loop3A_1254 = arith.index_cast %parallel_loop3A_1253 : i32 to index
        %parallel_loop3A_1255 = tpu.vector_load %arg6[%parallel_loop3A_1254] {strides = array<i32>} : memref<1280xf32, #tpu.memory_space<vmem>>, vector<16xf32>,
        %parallel_loop3A_1256 = arith.constant 48 : i32
        %parallel_loop3A_1257 = arith.addi %parallel_loop3A_1227, %parallel_loop3A_1256 : i32
        %parallel_loop3A_1258 = arith.index_cast %parallel_loop3A_1257 : i32 to index
        %parallel_loop3A_1259 = tpu.vector_load %arg7[%parallel_loop3A_1258] {strides = array<i32>} : memref<65536xf32, #tpu.memory_space<vmem>>, vector<16xf32>,
        tpu.vector_store %arg7[%parallel_loop3A_1258], %parallel_loop3A_1255 {strides = array<i32>} : memref<65536xf32, #tpu.memory_space<vmem>>, vector<16xf32>,
        %parallel_loop3A_1260 = arith.constant 64 : i32
        %parallel_loop3A_1261 = arith.addi %parallel_loop3A_171, %parallel_loop3A_1260 : i32
        %parallel_loop3A_1262 = arith.index_cast %parallel_loop3A_1261 : i32 to index
        %parallel_loop3A_1263 = tpu.vector_load %arg6[%parallel_loop3A_1262] {strides = array<i32>} : memref<1280xf32, #tpu.memory_space<vmem>>, vector<16xf32>,
        %parallel_loop3A_1264 = arith.constant 64 : i32
        %parallel_loop3A_1265 = arith.addi %parallel_loop3A_1227, %parallel_loop3A_1264 : i32
        %parallel_loop3A_1266 = arith.index_cast %parallel_loop3A_1265 : i32 to index
        %parallel_loop3A_1267 = tpu.vector_load %arg7[%parallel_loop3A_1266] {strides = array<i32>} : memref<65536xf32, #tpu.memory_space<vmem>>, vector<16xf32>,
        tpu.vector_store %arg7[%parallel_loop3A_1266], %parallel_loop3A_1263 {strides = array<i32>} : memref<65536xf32, #tpu.memory_space<vmem>>, vector<16xf32>,
        %parallel_loop3A_1268 = arith.constant 80 : i32
        %parallel_loop3A_1269 = arith.addi %parallel_loop3A_171, %parallel_loop3A_1268 : i32
        %parallel_loop3A_1270 = arith.index_cast %parallel_loop3A_1269 : i32 to index
        %parallel_loop3A_1271 = tpu.vector_load %arg6[%parallel_loop3A_1270] {strides = array<i32>} : memref<1280xf32, #tpu.memory_space<vmem>>, vector<16xf32>,
        %parallel_loop3A_1272 = arith.constant 80 : i32
        %parallel_loop3A_1273 = arith.addi %parallel_loop3A_1227, %parallel_loop3A_1272 : i32
        %parallel_loop3A_1274 = arith.index_cast %parallel_loop3A_1273 : i32 to index
        %parallel_loop3A_1275 = tpu.vector_load %arg7[%parallel_loop3A_1274] {strides = array<i32>} : memref<65536xf32, #tpu.memory_space<vmem>>, vector<16xf32>,
        tpu.vector_store %arg7[%parallel_loop3A_1274], %parallel_loop3A_1271 {strides = array<i32>} : memref<65536xf32, #tpu.memory_space<vmem>>, vector<16xf32>,
        %parallel_loop3A_1276 = arith.constant 96 : i32
        %parallel_loop3A_1277 = arith.addi %parallel_loop3A_171, %parallel_loop3A_1276 : i32
        %parallel_loop3A_1278 = arith.index_cast %parallel_loop3A_1277 : i32 to index
        %parallel_loop3A_1279 = tpu.vector_load %arg6[%parallel_loop3A_1278] {strides = array<i32>} : memref<1280xf32, #tpu.memory_space<vmem>>, vector<16xf32>,
        %parallel_loop3A_1280 = arith.constant 96 : i32
        %parallel_loop3A_1281 = arith.addi %parallel_loop3A_1227, %parallel_loop3A_1280 : i32
        %parallel_loop3A_1282 = arith.index_cast %parallel_loop3A_1281 : i32 to index
        %parallel_loop3A_1283 = tpu.vector_load %arg7[%parallel_loop3A_1282] {strides = array<i32>} : memref<65536xf32, #tpu.memory_space<vmem>>, vector<16xf32>,
        tpu.vector_store %arg7[%parallel_loop3A_1282], %parallel_loop3A_1279 {strides = array<i32>} : memref<65536xf32, #tpu.memory_space<vmem>>, vector<16xf32>,
        %parallel_loop3A_1284 = arith.constant 112 : i32
        %parallel_loop3A_1285 = arith.addi %parallel_loop3A_171, %parallel_loop3A_1284 : i32
        %parallel_loop3A_1286 = arith.index_cast %parallel_loop3A_1285 : i32 to index
        %parallel_loop3A_1287 = tpu.vector_load %arg6[%parallel_loop3A_1286] {strides = array<i32>} : memref<1280xf32, #tpu.memory_space<vmem>>, vector<16xf32>,
        %parallel_loop3A_1288 = arith.constant 112 : i32
        %parallel_loop3A_1289 = arith.addi %parallel_loop3A_1227, %parallel_loop3A_1288 : i32
        %parallel_loop3A_1290 = arith.index_cast %parallel_loop3A_1289 : i32 to index
        %parallel_loop3A_1291 = tpu.vector_load %arg7[%parallel_loop3A_1290] {strides = array<i32>} : memref<65536xf32, #tpu.memory_space<vmem>>, vector<16xf32>,
        tpu.vector_store %arg7[%parallel_loop3A_1290], %parallel_loop3A_1287 {strides = array<i32>} : memref<65536xf32, #tpu.memory_space<vmem>>, vector<16xf32>,
      } {sc.loop_unroll_factor = 1 : i64, sc.parallel_access}
      %mul3A_90 = arith.constant 8192 : i32
      %mul3A_91 = arith.muli %scan3A_87, %mul3A_90 : i32
      %mul3A_92 = arith.constant 128 : i32
      %mul3A_93 = arith.muli %mul3A_2, %mul3A_92 : i32
      %mul3A_94 = arith.constant 8192 : i32
      %mul3A_95 = arith.muli %scan3A_87, %mul3A_94 : i32
      %add3A_96 = arith.addi %mul3A_93, %mul3A_95 : i32
      %dma_start3A = tpu.memref_slice %arg7[%mul3A_91] : memref<65536xf32, #tpu.memory_space<vmem>> -> memref<8192xf32, #tpu.memory_space<vmem>>
      %dma_start3A_97 = tpu.memref_slice %arg4[%add3A_96] : memref<2097152xf32, #tpu.memory_space<hbm>> -> memref<8192xf32, #tpu.memory_space<hbm>>
      %dma_start3A_98 = tpu.memref_slice %arg4[%add3A_96] : memref<2097152xf32, #tpu.memory_space<hbm>> -> memref<8192xf32, #tpu.memory_space<hbm>>
      %dma_start3A_99 = tpu.memref_slice %arg7[%mul3A_91] : memref<65536xf32, #tpu.memory_space<vmem>> -> memref<8192xf32, #tpu.memory_space<vmem>>
      tpu.enqueue_dma source(%dma_start3A_99 : memref<8192xf32, #tpu.memory_space<vmem>>) target(%dma_start3A_98 : memref<8192xf32, #tpu.memory_space<hbm>>) target_semaphore(%arg8 : memref<!tpu.dma_semaphore, #tpu.memory_space<semaphore_mem>>)
    }
    %scan3A_7 = arith.constant 8 : i32
    %mul3A_8 = arith.constant 128 : i32
    %mul3A_9 = arith.muli %mul3A_2, %mul3A_8 : i32
    %add3A_10 = arith.constant 0 : i32
    %add3A_11 = arith.addi %mul3A_9, %add3A_10 : i32
    %dma_wait3A = arith.constant 0 : i32
    %dma_wait3A_12 = tpu.memref_slice %arg7[%dma_wait3A] : memref<65536xf32, #tpu.memory_space<vmem>> -> memref<8192xf32, #tpu.memory_space<vmem>>
    %dma_wait3A_13 = tpu.memref_slice %arg4[%add3A_11] : memref<2097152xf32, #tpu.memory_space<hbm>> -> memref<8192xf32, #tpu.memory_space<hbm>>
    %dma_wait3A_14 = tpu.memref_slice %arg4[%add3A_11] : memref<2097152xf32, #tpu.memory_space<hbm>> -> memref<8192xf32, #tpu.memory_space<hbm>>
    %dma_wait3A_15 = arith.constant 0 : i32
    %dma_wait3A_16 = tpu.memref_slice %arg7[%dma_wait3A_15] : memref<65536xf32, #tpu.memory_space<vmem>> -> memref<8192xf32, #tpu.memory_space<vmem>>
    tpu.wait_dma2 semaphore(%arg8 : memref<!tpu.dma_semaphore, #tpu.memory_space<semaphore_mem>>) src(%dma_wait3A_16 : memref<8192xf32, #tpu.memory_space<vmem>>) dst(%dma_wait3A_14 : memref<8192xf32, #tpu.memory_space<hbm>>)
    %mul3A_17 = arith.constant 128 : i32
    %mul3A_18 = arith.muli %mul3A_2, %mul3A_17 : i32
    %add3A_19 = arith.constant 8192 : i32
    %add3A_20 = arith.addi %mul3A_18, %add3A_19 : i32
    %dma_wait3A_21 = arith.constant 8192 : i32
    %dma_wait3A_22 = tpu.memref_slice %arg7[%dma_wait3A_21] : memref<65536xf32, #tpu.memory_space<vmem>> -> memref<8192xf32, #tpu.memory_space<vmem>>
    %dma_wait3A_23 = tpu.memref_slice %arg4[%add3A_20] : memref<2097152xf32, #tpu.memory_space<hbm>> -> memref<8192xf32, #tpu.memory_space<hbm>>
    %dma_wait3A_24 = tpu.memref_slice %arg4[%add3A_20] : memref<2097152xf32, #tpu.memory_space<hbm>> -> memref<8192xf32, #tpu.memory_space<hbm>>
    %dma_wait3A_25 = arith.constant 8192 : i32
    %dma_wait3A_26 = tpu.memref_slice %arg7[%dma_wait3A_25] : memref<65536xf32, #tpu.memory_space<vmem>> -> memref<8192xf32, #tpu.memory_space<vmem>>
    tpu.wait_dma2 semaphore(%arg8 : memref<!tpu.dma_semaphore, #tpu.memory_space<semaphore_mem>>) src(%dma_wait3A_26 : memref<8192xf32, #tpu.memory_space<vmem>>) dst(%dma_wait3A_24 : memref<8192xf32, #tpu.memory_space<hbm>>)
    %mul3A_27 = arith.constant 128 : i32
    %mul3A_28 = arith.muli %mul3A_2, %mul3A_27 : i32
    %add3A_29 = arith.constant 16384 : i32
    %add3A_30 = arith.addi %mul3A_28, %add3A_29 : i32
    %dma_wait3A_31 = arith.constant 16384 : i32
    %dma_wait3A_32 = tpu.memref_slice %arg7[%dma_wait3A_31] : memref<65536xf32, #tpu.memory_space<vmem>> -> memref<8192xf32, #tpu.memory_space<vmem>>
    %dma_wait3A_33 = tpu.memref_slice %arg4[%add3A_30] : memref<2097152xf32, #tpu.memory_space<hbm>> -> memref<8192xf32, #tpu.memory_space<hbm>>
    %dma_wait3A_34 = tpu.memref_slice %arg4[%add3A_30] : memref<2097152xf32, #tpu.memory_space<hbm>> -> memref<8192xf32, #tpu.memory_space<hbm>>
    %dma_wait3A_35 = arith.constant 16384 : i32
    %dma_wait3A_36 = tpu.memref_slice %arg7[%dma_wait3A_35] : memref<65536xf32, #tpu.memory_space<vmem>> -> memref<8192xf32, #tpu.memory_space<vmem>>
    tpu.wait_dma2 semaphore(%arg8 : memref<!tpu.dma_semaphore, #tpu.memory_space<semaphore_mem>>) src(%dma_wait3A_36 : memref<8192xf32, #tpu.memory_space<vmem>>) dst(%dma_wait3A_34 : memref<8192xf32, #tpu.memory_space<hbm>>)
    %mul3A_37 = arith.constant 128 : i32
    %mul3A_38 = arith.muli %mul3A_2, %mul3A_37 : i32
    %add3A_39 = arith.constant 24576 : i32
    %add3A_40 = arith.addi %mul3A_38, %add3A_39 : i32
    %dma_wait3A_41 = arith.constant 24576 : i32
    %dma_wait3A_42 = tpu.memref_slice %arg7[%dma_wait3A_41] : memref<65536xf32, #tpu.memory_space<vmem>> -> memref<8192xf32, #tpu.memory_space<vmem>>
    %dma_wait3A_43 = tpu.memref_slice %arg4[%add3A_40] : memref<2097152xf32, #tpu.memory_space<hbm>> -> memref<8192xf32, #tpu.memory_space<hbm>>
    %dma_wait3A_44 = tpu.memref_slice %arg4[%add3A_40] : memref<2097152xf32, #tpu.memory_space<hbm>> -> memref<8192xf32, #tpu.memory_space<hbm>>
    %dma_wait3A_45 = arith.constant 24576 : i32
    %dma_wait3A_46 = tpu.memref_slice %arg7[%dma_wait3A_45] : memref<65536xf32, #tpu.memory_space<vmem>> -> memref<8192xf32, #tpu.memory_space<vmem>>
    tpu.wait_dma2 semaphore(%arg8 : memref<!tpu.dma_semaphore, #tpu.memory_space<semaphore_mem>>) src(%dma_wait3A_46 : memref<8192xf32, #tpu.memory_space<vmem>>) dst(%dma_wait3A_44 : memref<8192xf32, #tpu.memory_space<hbm>>)
    %mul3A_47 = arith.constant 128 : i32
    %mul3A_48 = arith.muli %mul3A_2, %mul3A_47 : i32
    %add3A_49 = arith.constant 32768 : i32
    %add3A_50 = arith.addi %mul3A_48, %add3A_49 : i32
    %dma_wait3A_51 = arith.constant 32768 : i32
    %dma_wait3A_52 = tpu.memref_slice %arg7[%dma_wait3A_51] : memref<65536xf32, #tpu.memory_space<vmem>> -> memref<8192xf32, #tpu.memory_space<vmem>>
    %dma_wait3A_53 = tpu.memref_slice %arg4[%add3A_50] : memref<2097152xf32, #tpu.memory_space<hbm>> -> memref<8192xf32, #tpu.memory_space<hbm>>
    %dma_wait3A_54 = tpu.memref_slice %arg4[%add3A_50] : memref<2097152xf32, #tpu.memory_space<hbm>> -> memref<8192xf32, #tpu.memory_space<hbm>>
    %dma_wait3A_55 = arith.constant 32768 : i32
    %dma_wait3A_56 = tpu.memref_slice %arg7[%dma_wait3A_55] : memref<65536xf32, #tpu.memory_space<vmem>> -> memref<8192xf32, #tpu.memory_space<vmem>>
    tpu.wait_dma2 semaphore(%arg8 : memref<!tpu.dma_semaphore, #tpu.memory_space<semaphore_mem>>) src(%dma_wait3A_56 : memref<8192xf32, #tpu.memory_space<vmem>>) dst(%dma_wait3A_54 : memref<8192xf32, #tpu.memory_space<hbm>>)
    %mul3A_57 = arith.constant 128 : i32
    %mul3A_58 = arith.muli %mul3A_2, %mul3A_57 : i32
    %add3A_59 = arith.constant 40960 : i32
    %add3A_60 = arith.addi %mul3A_58, %add3A_59 : i32
    %dma_wait3A_61 = arith.constant 40960 : i32
    %dma_wait3A_62 = tpu.memref_slice %arg7[%dma_wait3A_61] : memref<65536xf32, #tpu.memory_space<vmem>> -> memref<8192xf32, #tpu.memory_space<vmem>>
    %dma_wait3A_63 = tpu.memref_slice %arg4[%add3A_60] : memref<2097152xf32, #tpu.memory_space<hbm>> -> memref<8192xf32, #tpu.memory_space<hbm>>
    %dma_wait3A_64 = tpu.memref_slice %arg4[%add3A_60] : memref<2097152xf32, #tpu.memory_space<hbm>> -> memref<8192xf32, #tpu.memory_space<hbm>>
    %dma_wait3A_65 = arith.constant 40960 : i32
    %dma_wait3A_66 = tpu.memref_slice %arg7[%dma_wait3A_65] : memref<65536xf32, #tpu.memory_space<vmem>> -> memref<8192xf32, #tpu.memory_space<vmem>>
    tpu.wait_dma2 semaphore(%arg8 : memref<!tpu.dma_semaphore, #tpu.memory_space<semaphore_mem>>) src(%dma_wait3A_66 : memref<8192xf32, #tpu.memory_space<vmem>>) dst(%dma_wait3A_64 : memref<8192xf32, #tpu.memory_space<hbm>>)
    %mul3A_67 = arith.constant 128 : i32
    %mul3A_68 = arith.muli %mul3A_2, %mul3A_67 : i32
    %add3A_69 = arith.constant 49152 : i32
    %add3A_70 = arith.addi %mul3A_68, %add3A_69 : i32
    %dma_wait3A_71 = arith.constant 49152 : i32
    %dma_wait3A_72 = tpu.memref_slice %arg7[%dma_wait3A_71] : memref<65536xf32, #tpu.memory_space<vmem>> -> memref<8192xf32, #tpu.memory_space<vmem>>
    %dma_wait3A_73 = tpu.memref_slice %arg4[%add3A_70] : memref<2097152xf32, #tpu.memory_space<hbm>> -> memref<8192xf32, #tpu.memory_space<hbm>>
    %dma_wait3A_74 = tpu.memref_slice %arg4[%add3A_70] : memref<2097152xf32, #tpu.memory_space<hbm>> -> memref<8192xf32, #tpu.memory_space<hbm>>
    %dma_wait3A_75 = arith.constant 49152 : i32
    %dma_wait3A_76 = tpu.memref_slice %arg7[%dma_wait3A_75] : memref<65536xf32, #tpu.memory_space<vmem>> -> memref<8192xf32, #tpu.memory_space<vmem>>
    tpu.wait_dma2 semaphore(%arg8 : memref<!tpu.dma_semaphore, #tpu.memory_space<semaphore_mem>>) src(%dma_wait3A_76 : memref<8192xf32, #tpu.memory_space<vmem>>) dst(%dma_wait3A_74 : memref<8192xf32, #tpu.memory_space<hbm>>)
    %mul3A_77 = arith.constant 128 : i32
    %mul3A_78 = arith.muli %mul3A_2, %mul3A_77 : i32
    %add3A_79 = arith.constant 57344 : i32
    %add3A_80 = arith.addi %mul3A_78, %add3A_79 : i32
    %dma_wait3A_81 = arith.constant 57344 : i32
    %dma_wait3A_82 = tpu.memref_slice %arg7[%dma_wait3A_81] : memref<65536xf32, #tpu.memory_space<vmem>> -> memref<8192xf32, #tpu.memory_space<vmem>>
    %dma_wait3A_83 = tpu.memref_slice %arg4[%add3A_80] : memref<2097152xf32, #tpu.memory_space<hbm>> -> memref<8192xf32, #tpu.memory_space<hbm>>
    %dma_wait3A_84 = tpu.memref_slice %arg4[%add3A_80] : memref<2097152xf32, #tpu.memory_space<hbm>> -> memref<8192xf32, #tpu.memory_space<hbm>>
    %dma_wait3A_85 = arith.constant 57344 : i32
    %dma_wait3A_86 = tpu.memref_slice %arg7[%dma_wait3A_85] : memref<65536xf32, #tpu.memory_space<vmem>> -> memref<8192xf32, #tpu.memory_space<vmem>>
    tpu.wait_dma2 semaphore(%arg8 : memref<!tpu.dma_semaphore, #tpu.memory_space<semaphore_mem>>) src(%dma_wait3A_86 : memref<8192xf32, #tpu.memory_space<vmem>>) dst(%dma_wait3A_84 : memref<8192xf32, #tpu.memory_space<hbm>>)
    return
  }
}

</mosaic_0001>

<sc_bundles>
// kernel: kernel.3.cloned.1.call-start
scs
__scs_entry_jumppad:
0x0: {  	(pc) =	sbr.rel $0x88, $3  }
0x1: {  	(tag) =	ssettag $0x0;
	lr =	simm.s32 $0x1  }
0x2: {  	[smem:$0x3F9F] =	sst lr;
	_ =	strace $0xD0000000  }
0x3: {  	_ = 	snop  }
0x4: {  	_ = 	snop  }
0x5: {  	_ = 	snop  }
0x6: {  	_ = 	snop  }
0x7: {  	_ = 	snop  }
__scs_overlays_trampoline_lowered:
0x8: {  	[smem:$0x3FAE] =	sst s0  }
0x9: {  	[smem:$0x3FAF] =	sst s1  }
0xa: {  	[smem:$0x3FB0] =	sst s2  }
0xb: {  	[smem:$0x3FB1] =	sst s3  }
0xc: {  	[smem:$0x3FB2] =	sst s4  }
0xd: {  	[smem:$0x3FB3] =	sst s5  }
0xe: {  	[smem:$0x3FB4] =	sst s6  }
0xf: {  	[smem:$0x3FB5] =	sst s7  }
0x10: {  	[smem:$0x3FB6] =	sst s8  }
0x11: {  	[smem:$0x3FB7] =	sst s9;
	s0 =	simm.s32 @!p0 $0x0  }
0x12: {  	s1 =	sld [smem:$0x3F9D];
	s0 =	simm.s32 @p0 $0x1  }
0x13: {  	[smem:$0x3FB8] =	sst s0;
	s0 =	simm.s32 @!p1 $0x0  }
0x14: {  	s2 =	sld [smem:$0x3F9C];
	s0 =	simm.s32 @p1 $0x1  }
0x15: {  	[smem:$0x3FB9] =	sst s0;
	s0 =	simm.s32 @!p2 $0x0  }
0x16: {  	s3 =	sld [smem:$0x3FDB];
	s0 =	simm.s32 @p2 $0x1  }
0x17: {  	s4 =	simm.s32 $0x1BF5;
	[smem:$0x3FBB] =	sst s0  }
0x18: {  	s0 =	sld [smem:$0x3F9E];
	_ =	swait.ge [sflag:s4], $0x0  }
0x19: {  	s7 =	sld [smem:$0x3F9F]  }
0x1a: {  	s8 =	sadd.s32 $0xFFFFE003, lr  }
0x1b: {  	s9 =	sadd.s32 $0xFFFFFEF7, lr;
	s5 =	simm.s32 $0xFFFFFFFF;
	p2 =	slt.u32 s8, $0xFFFFF086  }
0x1c: {  	p1 =	slt.u32 s9, $0xF7A;
	s5 =	simm.s32 @!p2 $0x0  }
0x1d: {  	s5 =	simm.s32 @p1 $0x1;
	p0 =	seq.s32 s7, s2  }
0x1e: {  	s7 =	smul.u32 @!p0 $0xF7A, s2;
	p2 =	seq.s32 @!p0 s5, $0x0  }
0x1f: {  	s9 =	smul.u32 $0xF7A, s1;
	s8 =	simm.s32 @!p0 $0x1BF5;
	p2 =	por !p2, p0  }
0x20: {  	[sflag:s8] =	ssyncset.s32 @!p0 $0xFFFFF086;
	s6 =	sadd.s32 @!p0 s3, s7;
	s7 =	simm.s32 @!p0 $0x108  }
0x21: {  	s3 =	sadd.s32 s3, s9;
	s6 =	sadd.s32 @!p0 $0x88, s6;
	s7 =	simm.s32 @p2 $0x1082  }
0x22: {  	[simem:s7], [sflag:s8] =	dma.local @!p0 [hbm:s6], $0xF7A  }
0x23: {  	s9 =	sor.u32 $0xD0000000, s2;
	s6 =	simm.s32 $0x108;
	_ =	swait.ge @!p0 [sflag:s8], $0x0  }
0x24: {  	s3 =	sadd.s32 $0x88, s3;
	s6 =	simm.s32 @!p1 $0x1082;
	[sflag:s4] =	ssyncset.s32 $0xFFFFF086  }
0x25: {  	[simem:s6], [sflag:s4] =	dma.local [hbm:s3], $0xF7A  }
0x26: {  	[smem:$0x3F9F] =	sst s1;
	(tag) =	ssettag s2;
	_ =	strace s9  }
0x27: {  	s1 =	sld [smem:$0x3FAF]  }
0x28: {  	s2 =	sld [smem:$0x3FB0]  }
0x29: {  	s4 =	sld [smem:$0x3FB2]  }
0x2a: {  	p0 =	seq.s32 s5, $0x0;
	s5 =	sld [smem:$0x3FB3]  }
0x2b: {  	s6 =	sld [smem:$0x3FB4]  }
0x2c: {  	s7 =	sld [smem:$0x3FB5]  }
0x2d: {  	s3 =	simm.s32 $0x108;
	s8 =	sld [smem:$0x3FB6]  }
0x2e: {  	s3 =	simm.s32 @!p0 $0x1082;
	s9 =	sld [smem:$0x3FB7]  }
0x2f: {  	lr =	sadd.s32 s0, s3;
	s0 =	sld [smem:$0x3FAE]  }
0x30: {  	s3 =	sld [smem:$0x3FB1]  }
0x31: {  	[smem:$0x3FBA] =	sst s10  }
0x32: {  	s10 =	sld [smem:$0x3FB8];
	_ =	sdelay $0x3  }
0x33: {  	p0 =	seq.s32 s10, $0x1;
	s10 =	sld [smem:$0x3FBA];
	_ =	sdelay $0x3  }
0x34: {  	[smem:$0x3FBA] =	sst s10  }
0x35: {  	s10 =	sld [smem:$0x3FB9];
	_ =	sdelay $0x3  }
0x36: {  	p1 =	seq.s32 s10, $0x1;
	s10 =	sld [smem:$0x3FBA];
	_ =	sdelay $0x3  }
0x37: {  	[smem:$0x3FBA] =	sst s10  }
0x38: {  	s10 =	sld [smem:$0x3FBB]  }
0x39: {  	_ = 	snop;
	(pc) =	sbr.ind lr, $3  }
0x3a: {  	_ = 	snop  }
0x3b: {  	_ = 	snop  }
0x3c: {  	p2 =	seq.s32 s10, $0x1;
	s10 =	sld [smem:$0x3FBA]  }
0x3d: {  	_ =	shalt  }
0x3e: {  	_ =	shalt  }
0x3f: {  	_ =	shalt  }
0x40: {  	_ =	shalt  }
0x41: {  	_ =	shalt  }
0x42: {  	_ =	shalt  }
0x43: {  	_ =	shalt  }
0x44: {  	_ =	shalt  }
0x45: {  	_ =	shalt  }
0x46: {  	_ =	shalt  }
0x47: {  	_ =	shalt  }
0x48: {  	_ =	shalt  }
0x49: {  	_ =	shalt  }
0x4a: {  	_ =	shalt  }
0x4b: {  	_ =	shalt  }
0x4c: {  	_ =	shalt  }
0x4d: {  	_ =	shalt  }
0x4e: {  	_ =	shalt  }
0x4f: {  	_ =	shalt  }
0x50: {  	_ =	shalt  }
0x51: {  	_ =	shalt  }
0x52: {  	_ =	shalt  }
0x53: {  	_ =	shalt  }
0x54: {  	_ =	shalt  }
0x55: {  	_ =	shalt  }
0x56: {  	_ =	shalt  }
0x57: {  	_ =	shalt  }
0x58: {  	_ =	shalt  }
0x59: {  	_ =	shalt  }
0x5a: {  	_ =	shalt  }
0x5b: {  	_ =	shalt  }
0x5c: {  	_ =	shalt  }
0x5d: {  	_ =	shalt  }
0x5e: {  	_ =	shalt  }
0x5f: {  	_ =	shalt  }
0x60: {  	_ =	shalt  }
0x61: {  	_ =	shalt  }
0x62: {  	_ =	shalt  }
0x63: {  	_ =	shalt  }
0x64: {  	_ =	shalt  }
0x65: {  	_ =	shalt  }
0x66: {  	_ =	shalt  }
0x67: {  	_ =	shalt  }
0x68: {  	_ =	shalt  }
0x69: {  	_ =	shalt  }
0x6a: {  	_ =	shalt  }
0x6b: {  	_ =	shalt  }
0x6c: {  	_ =	shalt  }
0x6d: {  	_ =	shalt  }
0x6e: {  	_ =	shalt  }
0x6f: {  	_ =	shalt  }
0x70: {  	_ =	shalt  }
0x71: {  	_ =	shalt  }
0x72: {  	_ =	shalt  }
0x73: {  	_ =	shalt  }
0x74: {  	_ =	shalt  }
0x75: {  	_ =	shalt  }
0x76: {  	_ =	shalt  }
0x77: {  	_ =	shalt  }
0x78: {  	_ =	shalt  }
0x79: {  	_ =	shalt  }
0x7a: {  	_ =	shalt  }
0x7b: {  	_ =	shalt  }
0x7c: {  	_ =	shalt  }
0x7d: {  	_ =	shalt  }
0x7e: {  	_ =	shalt  }
0x7f: {  	_ =	shalt  }
0x80: {  	_ =	shalt  }
0x81: {  	_ =	shalt  }
0x82: {  	_ =	shalt  }
0x83: {  	_ =	shalt  }
0x84: {  	_ =	shalt  }
0x85: {  	_ =	shalt  }
0x86: {  	_ =	shalt  }
0x87: {  	_ =	shalt  }
.Lfunc_end0:
.L_simem_size_0:
called_computation_lowered:
.L_overlay_start_0:
0x88: {  	s2 =	sld [smem:$0x3FD9]  }
0x89: {  	s3 =	sld [smem:$0x3FFE];
	_ =	sdelay $0x1  }
0x8a: {  	s1 =	srdreg.scid  }
0x8b: {  	s0 =	sand.u32 $0x1, s1  }
0x8c: {  	s18 =	sshll.u32 s0, $0xA;
	s2 =	sadd.s32 s3, s2  }
0x8d: {  	s2 =	sadd.s32 s2, s18  }
0x8e: {  	[smem:$0x3FC6] =	sst s2  }
0x8f: {  	_ = 	snop  }
0x90: {  	s2 =	sld [smem:$0x3FC9]  }
0x91: {  	s19 =	sld [smem:$0x3FC8]  }
0x92: {  	s4 =	sld [smem:$0x3FD0];
	(tm) =	ssettm $0x1  }
0x93: {  	s5 =	sld [smem:$0x3FFB];
	_ =	sdelay $0x3  }
0x94: {  	_ =	strace s5  }
0x95: {  	s5 =	sld [smem:$0x3FFC];
	_ =	sdelay $0x3  }
0x96: {  	_ =	strace s5  }
0x97: {  	s5 =	sld [smem:$0x3FFD];
	_ =	sdelay $0x3  }
0x98: {  	_ =	strace s5  }
0x99: {  	_ =	strace $0x8FFFFFFF  }
0x9a: {  	s20 =	sld [smem:$0x3FDB];
	_ =	sdelay $0x1  }
0x9b: {  	s6 =	simm.s32 $_scs_section_size  }
0x9c: {  	s7 =	simm.s32 $_size__tile_overlayer_lowered;
	s8 =	simm.s32 $_tile_overlayer_lowered  }
0x9d: {  	s23 =	simm.s32 $0x1BFF;
	s22 =	sshll.u32 s8, $0x1;
	s5 =	sadd.s32 s6, s20  }
0x9e: {  	s9 =	simm.s32 $0x0;
	s21 =	sshll.u32 s7, $0x1;
	s7 =	sadd.s32 s22, s5  }
0x9f: {  	[timem:s9], [sflag:s23] =	dma.local [hbm:s7], s21  }
0xa0: {  	_ =	swait.ge [sflag:s23], s21  }
0xa1: {  	s6 =	ssub.s32 $0x0, s21;
	[sflag:s23] =	ssyncset.done $0x0  }
0xa2: {  	[sflag:s23] =	ssyncadd.s32 s6;
	_ =	sdelay $0x1  }
0xa3: {  	s24 =	simm.s32 $0x1B8B  }
0xa4: {  	_ =	swait.ge [sflag:s24], $0x1  }
0xa5: {  	[sflag:s24] =	ssyncset.done $0x0  }
0xa6: {  	s25 =	simm.s32 $0x1B8E;
	[sflag:s24] =	ssyncadd.s32 $0xFFFFFFFF  }
0xa7: {  	s26 =	simm.s32 $execute0_lowered;
	[smem:$0x3FD2] =	sst s25  }
0xa8: {  	s6 =	sshll.u32 s26, $0x1;
	_ =	strace $0x80000046;
	[dreg:$0x1] =	wrdreg $0xFFFFFFFF  }
0xa9: {  	s28 =	simm.s32 $_size_execute0_lowered;
	s5 =	sadd.s32 s5, s6;
	[dreg:$0x0] =	wrdreg $0x0  }
0xaa: {  	s6 =	sshll.u32 s28, $0x1;
	[dreg:$0x2] =	wrdreg s5  }
0xab: {  	[dreg:$0x3] =	wrdreg s6  }
0xac: {  	[dreg:$0x4] =	wrdreg $0xC0  }
0xad: {  	_ =	task [dreg:s9], $0x5FFFF  }
0xae: {  	[dreg:$0x1] =	wrdreg $0xFFFFFFFF  }
0xaf: {  	[dreg:$0x0] =	wrdreg $0x60  }
0xb0: {  	[dreg:$0x2] =	wrdreg s2  }
0xb1: {  	[dreg:$0x3] =	wrdreg s19  }
0xb2: {  	[dreg:$0x4] =	wrdreg s4  }
0xb3: {  	[dreg:$0x5] =	wrdreg $0x9  }
0xb4: {  	_ =	task.clear_ibuf [dreg:s9], $0x6FFFF;
	_ =	strace $0x90000046  }
0xb5: {  	s29 =	simm.s32 $0x9;
	_ =	strace $0x80000048  }
0xb6: {  	_ =	swait.ge [sflag:s29], $0x1  }
0xb7: {  	[sflag:s29] =	ssyncadd.s32 $0xFFFFFFFF  }
0xb8: {  	_ =	strace $0x90000048  }
0xb9: {  	_ =	sfence  }
0xba: {  	s30 =	sld [smem:$0x0];
	_ =	sdelay $0x2  }
0xbb: {  	s31 =	sshll.u32 s1, $0xD;
	s1 =	sshrl.u32 s1, $0x2  }
0xbc: {  	s3 =	sand.u32 $0x4000, s31;
	s1 =	sadd.s32 s1, s30  }
0xbd: {  	s0 =	sor.u32 s3, s0;
	s1 =	sshll.u32 s1, $0x11  }
0xbe: {  	s0 =	sor.u32 s1, s0  }
0xbf: {  	s0 =	sadd.s32 $0x8F2B, s0  }
0xc0: {  	[sflag:s0] =	ssyncadd.remote.s32 $0x1  }
0xc1: {  	_ =	sfence.sel $0xFFFF  }
0xc2: {  	[dreg:$0x0] =	wrdreg $0xFFFFFFFF;
	(pc) =	sbr.abs _section_cstart, $3  }
0xc3: {  	[dreg:$0x1] =	wrdreg $0xFFFFFFFF  }
0xc4: {  	_ =	task.clear_ibuf [dreg:s9], $0x2FFFF;
	_ =	strace $0x9FFFFFFF  }
0xc5: {  	(tm) =	ssettm $0x7FFFFFFF  }
tec
execute0_lowered:
.L_overlay_start_1:
0x0: {  	(tag) =	ssettag $0x1  }
0x1: {  	s5 =	rddreg [dreg:$0x0]  }
0x2: {  	s2 =	rddreg [dreg:$0x1]  }
0x3: {  	s3 =	rddreg [dreg:$0x2]  }
0x4: {  	s4 =	srdreg.scid;
	s1 =	stileid.u32  }
0x5: {  	s0 =	rddreg [dreg:$0x3];
	s10 =	simm.s32 $0x1;
	s11 =	simm.s32 $0x0  }
0x6: {  	s6 =	sand.u32 $0x1, s4;
	s7 =	sshll.u32 s1, $0x1;
	s4 =	simm.s32 $0x0  }
0x7: {  	s8 =	ssub.s32 $0x2, s6;
	s6 =	sor.u32 s6, s7;
	[smem:$0x7FF] =	sst s4  }
0x8: {  	s31 =	sshrl.u32 s8, $0x1;
	s9 =	sshll.u32 s6, $0x6;
	_ =	strace $0x80000047  }
0x9: {  	s6 =	sshll.u32 s6, $0x10;
	s7 =	ssub.s32 s8, s31;
	s5 =	sadd.s32 s5, s9  }
0xa: {  	s8 =	simm.s32 $0x2;
	s9 =	simm.s32 $0x200;
	s7 =	smax.u32 s7, $0x1  }
.LBB2_1:
0xb: {  	[tilespmem:s4], [sflag:$0x2] =	stream.linear.gather [hbm4b:s5+s4], $0x200, $0x38;
	[tilespmem:$0x10700] =	vst v63  }
0xc: {  	_ =	swait.ge [sflag:s8], $0x200  }
0xd: {  	[sflag:s8] =	ssyncset.done $0x0  }
0xe: {  	[sflag:s8] =	ssyncadd.s32 $0xFFFFFE00  }
0xf: {  	[tilespmem:s9], [sflag:$0x2] =	stream.linear.gather [hbm4b:s2+s4], $0x500, $0x38;
	[tilespmem:$0x10700] =	vst v63  }
0x10: {  	_ =	swait.ge [sflag:s8], $0x500  }
0x11: {  	s12 =	simm.s32 $0xB00;
	[sflag:s8] =	ssyncset.done $0x0  }
0x12: {  	s13 =	simm.s32 $0x0;
	s14 =	simm.s32 $0x0;
	[sflag:s8] =	ssyncadd.s32 $0xFFFFFB00  }
.LBB2_2:
0x13: {  	v1 =	vmov s13;
	_ =	sdelay $0x3  }
0x14: {  	s15 =	simm.s32 $0x0  }
0x15: {  	v0 =	vld.idx.msk [tilespmem:v1+s15+$0x0 ss:$0x1], $0xffff;
	_ =	sdelay $0x4  }
0x16: {  	v0 =	vshll.u32 v0, $0x9  }
0x17: {  	v0 =	vshra.s32 v0, $0x2  }
0x18: {  	(v2sf) =	vpush v0, $0x0;
	_ =	sdelay $0xe  }
0x19: {  	s23 =	spop (v2sf)  }
0x1a: {  	v2 =	vld [tilespmem:s23+$0x200];
	_ =	sdelay $0x4  }
0x1b: {  	[tilespmem:s12+$0xFFFFFC00] =	vst v2  }
0x1c: {  	v2 =	vld [tilespmem:s23+$0x210];
	_ =	sdelay $0x4  }
0x1d: {  	[tilespmem:s12+$0xFFFFFC10] =	vst v2  }
0x1e: {  	v2 =	vld [tilespmem:s23+$0x220];
	_ =	sdelay $0x4  }
0x1f: {  	[tilespmem:s12+$0xFFFFFC20] =	vst v2  }
0x20: {  	v2 =	vld [tilespmem:s23+$0x230];
	_ =	sdelay $0x4  }
0x21: {  	[tilespmem:s12+$0xFFFFFC30] =	vst v2  }
0x22: {  	v2 =	vld [tilespmem:s23+$0x240];
	_ =	sdelay $0x4  }
0x23: {  	[tilespmem:s12+$0xFFFFFC40] =	vst v2  }
0x24: {  	v2 =	vld [tilespmem:s23+$0x250];
	_ =	sdelay $0x1  }
0x25: {  	(v2sf) =	vpush v0, $0x1;
	_ =	sdelay $0x2  }
0x26: {  	[tilespmem:s12+$0xFFFFFC50] =	vst v2  }
0x27: {  	v2 =	vld [tilespmem:s23+$0x260];
	_ =	sdelay $0x4  }
0x28: {  	[tilespmem:s12+$0xFFFFFC60] =	vst v2  }
0x29: {  	v2 =	vld [tilespmem:s23+$0x270];
	_ =	sdelay $0x4  }
0x2a: {  	s24 =	spop (v2sf);
	[tilespmem:s12+$0xFFFFFC70] =	vst v2  }
0x2b: {  	v2 =	vld [tilespmem:s24+$0x200];
	_ =	sdelay $0x4  }
0x2c: {  	[tilespmem:s12+$0xFFFFFC80] =	vst v2  }
0x2d: {  	v2 =	vld [tilespmem:s24+$0x210];
	_ =	sdelay $0x4  }
0x2e: {  	[tilespmem:s12+$0xFFFFFC90] =	vst v2  }
0x2f: {  	v2 =	vld [tilespmem:s24+$0x220];
	_ =	sdelay $0x4  }
0x30: {  	[tilespmem:s12+$0xFFFFFCA0] =	vst v2  }
0x31: {  	v2 =	vld [tilespmem:s24+$0x230];
	_ =	sdelay $0x4  }
0x32: {  	[tilespmem:s12+$0xFFFFFCB0] =	vst v2  }
0x33: {  	v2 =	vld [tilespmem:s24+$0x240];
	_ =	sdelay $0x4  }
0x34: {  	[tilespmem:s12+$0xFFFFFCC0] =	vst v2  }
0x35: {  	v2 =	vld [tilespmem:s24+$0x250];
	_ =	sdelay $0x1  }
0x36: {  	(v2sf) =	vpush v0, $0x2;
	_ =	sdelay $0x2  }
0x37: {  	[tilespmem:s12+$0xFFFFFCD0] =	vst v2  }
0x38: {  	v2 =	vld [tilespmem:s24+$0x260];
	_ =	sdelay $0x4  }
0x39: {  	[tilespmem:s12+$0xFFFFFCE0] =	vst v2  }
0x3a: {  	v2 =	vld [tilespmem:s24+$0x270];
	_ =	sdelay $0x4  }
0x3b: {  	s25 =	spop (v2sf);
	[tilespmem:s12+$0xFFFFFCF0] =	vst v2  }
0x3c: {  	v2 =	vld [tilespmem:s25+$0x200];
	_ =	sdelay $0x4  }
0x3d: {  	[tilespmem:s12+$0xFFFFFD00] =	vst v2  }
0x3e: {  	v2 =	vld [tilespmem:s25+$0x210];
	_ =	sdelay $0x4  }
0x3f: {  	[tilespmem:s12+$0xFFFFFD10] =	vst v2  }
0x40: {  	v2 =	vld [tilespmem:s25+$0x220];
	_ =	sdelay $0x4  }
0x41: {  	[tilespmem:s12+$0xFFFFFD20] =	vst v2  }
0x42: {  	v2 =	vld [tilespmem:s25+$0x230];
	_ =	sdelay $0x4  }
0x43: {  	[tilespmem:s12+$0xFFFFFD30] =	vst v2  }
0x44: {  	v2 =	vld [tilespmem:s25+$0x240];
	_ =	sdelay $0x4  }
0x45: {  	[tilespmem:s12+$0xFFFFFD40] =	vst v2  }
0x46: {  	v2 =	vld [tilespmem:s25+$0x250];
	_ =	sdelay $0x1  }
0x47: {  	(v2sf) =	vpush v0, $0x3;
	_ =	sdelay $0x2  }
0x48: {  	[tilespmem:s12+$0xFFFFFD50] =	vst v2  }
0x49: {  	v2 =	vld [tilespmem:s25+$0x260];
	_ =	sdelay $0x4  }
0x4a: {  	[tilespmem:s12+$0xFFFFFD60] =	vst v2  }
0x4b: {  	v2 =	vld [tilespmem:s25+$0x270];
	_ =	sdelay $0x4  }
0x4c: {  	s26 =	spop (v2sf);
	[tilespmem:s12+$0xFFFFFD70] =	vst v2  }
0x4d: {  	v2 =	vld [tilespmem:s26+$0x200];
	_ =	sdelay $0x4  }
0x4e: {  	[tilespmem:s12+$0xFFFFFD80] =	vst v2  }
0x4f: {  	v2 =	vld [tilespmem:s26+$0x210];
	_ =	sdelay $0x4  }
0x50: {  	[tilespmem:s12+$0xFFFFFD90] =	vst v2  }
0x51: {  	v2 =	vld [tilespmem:s26+$0x220];
	_ =	sdelay $0x4  }
0x52: {  	[tilespmem:s12+$0xFFFFFDA0] =	vst v2  }
0x53: {  	v2 =	vld [tilespmem:s26+$0x230];
	_ =	sdelay $0x4  }
0x54: {  	[tilespmem:s12+$0xFFFFFDB0] =	vst v2  }
0x55: {  	v2 =	vld [tilespmem:s26+$0x240];
	_ =	sdelay $0x4  }
0x56: {  	[tilespmem:s12+$0xFFFFFDC0] =	vst v2  }
0x57: {  	v2 =	vld [tilespmem:s26+$0x250];
	_ =	sdelay $0x1  }
0x58: {  	(v2sf) =	vpush v0, $0x4;
	_ =	sdelay $0x2  }
0x59: {  	[tilespmem:s12+$0xFFFFFDD0] =	vst v2  }
0x5a: {  	v2 =	vld [tilespmem:s26+$0x260];
	_ =	sdelay $0x4  }
0x5b: {  	[tilespmem:s12+$0xFFFFFDE0] =	vst v2  }
0x5c: {  	v2 =	vld [tilespmem:s26+$0x270];
	_ =	sdelay $0x4  }
0x5d: {  	s28 =	spop (v2sf);
	[tilespmem:s12+$0xFFFFFDF0] =	vst v2  }
0x5e: {  	v2 =	vld [tilespmem:s28+$0x200];
	_ =	sdelay $0x4  }
0x5f: {  	[tilespmem:s12+$0xFFFFFE00] =	vst v2  }
0x60: {  	v2 =	vld [tilespmem:s28+$0x210];
	_ =	sdelay $0x4  }
0x61: {  	[tilespmem:s12+$0xFFFFFE10] =	vst v2  }
0x62: {  	v2 =	vld [tilespmem:s28+$0x220];
	_ =	sdelay $0x4  }
0x63: {  	[tilespmem:s12+$0xFFFFFE20] =	vst v2  }
0x64: {  	v2 =	vld [tilespmem:s28+$0x230];
	_ =	sdelay $0x4  }
0x65: {  	[tilespmem:s12+$0xFFFFFE30] =	vst v2  }
0x66: {  	v2 =	vld [tilespmem:s28+$0x240];
	_ =	sdelay $0x4  }
0x67: {  	[tilespmem:s12+$0xFFFFFE40] =	vst v2  }
0x68: {  	v2 =	vld [tilespmem:s28+$0x250];
	_ =	sdelay $0x1  }
0x69: {  	(v2sf) =	vpush v0, $0x5;
	_ =	sdelay $0x2  }
0x6a: {  	[tilespmem:s12+$0xFFFFFE50] =	vst v2  }
0x6b: {  	v2 =	vld [tilespmem:s28+$0x260];
	_ =	sdelay $0x4  }
0x6c: {  	[tilespmem:s12+$0xFFFFFE60] =	vst v2  }
0x6d: {  	v2 =	vld [tilespmem:s28+$0x270];
	_ =	sdelay $0x4  }
0x6e: {  	s29 =	spop (v2sf);
	[tilespmem:s12+$0xFFFFFE70] =	vst v2  }
0x6f: {  	v2 =	vld [tilespmem:s29+$0x200];
	_ =	sdelay $0x4  }
0x70: {  	[tilespmem:s12+$0xFFFFFE80] =	vst v2  }
0x71: {  	v2 =	vld [tilespmem:s29+$0x210];
	_ =	sdelay $0x4  }
0x72: {  	[tilespmem:s12+$0xFFFFFE90] =	vst v2  }
0x73: {  	v2 =	vld [tilespmem:s29+$0x220];
	_ =	sdelay $0x4  }
0x74: {  	[tilespmem:s12+$0xFFFFFEA0] =	vst v2  }
0x75: {  	v2 =	vld [tilespmem:s29+$0x230];
	_ =	sdelay $0x4  }
0x76: {  	[tilespmem:s12+$0xFFFFFEB0] =	vst v2  }
0x77: {  	v2 =	vld [tilespmem:s29+$0x240];
	_ =	sdelay $0x4  }
0x78: {  	[tilespmem:s12+$0xFFFFFEC0] =	vst v2  }
0x79: {  	v2 =	vld [tilespmem:s29+$0x250];
	_ =	sdelay $0x1  }
0x7a: {  	(v2sf) =	vpush v0, $0x6;
	_ =	sdelay $0x2  }
0x7b: {  	[tilespmem:s12+$0xFFFFFED0] =	vst v2  }
0x7c: {  	v2 =	vld [tilespmem:s29+$0x260];
	_ =	sdelay $0x4  }
0x7d: {  	[tilespmem:s12+$0xFFFFFEE0] =	vst v2  }
0x7e: {  	v2 =	vld [tilespmem:s29+$0x270];
	_ =	sdelay $0x4  }
0x7f: {  	s30 =	spop (v2sf);
	[tilespmem:s12+$0xFFFFFEF0] =	vst v2  }
0x80: {  	v2 =	vld [tilespmem:s30+$0x200];
	_ =	sdelay $0x4  }
0x81: {  	[tilespmem:s12+$0xFFFFFF00] =	vst v2  }
0x82: {  	v2 =	vld [tilespmem:s30+$0x210];
	_ =	sdelay $0x4  }
0x83: {  	[tilespmem:s12+$0xFFFFFF10] =	vst v2  }
0x84: {  	v2 =	vld [tilespmem:s30+$0x220];
	_ =	sdelay $0x4  }
0x85: {  	[tilespmem:s12+$0xFFFFFF20] =	vst v2  }
0x86: {  	v2 =	vld [tilespmem:s30+$0x230];
	_ =	sdelay $0x4  }
0x87: {  	[tilespmem:s12+$0xFFFFFF30] =	vst v2  }
0x88: {  	v2 =	vld [tilespmem:s30+$0x240];
	_ =	sdelay $0x4  }
0x89: {  	[tilespmem:s12+$0xFFFFFF40] =	vst v2  }
0x8a: {  	v2 =	vld [tilespmem:s30+$0x250];
	_ =	sdelay $0x1  }
0x8b: {  	(v2sf) =	vpush v0, $0x7;
	_ =	sdelay $0x2  }
0x8c: {  	[tilespmem:s12+$0xFFFFFF50] =	vst v2  }
0x8d: {  	v2 =	vld [tilespmem:s30+$0x260];
	_ =	sdelay $0x4  }
0x8e: {  	[tilespmem:s12+$0xFFFFFF60] =	vst v2  }
0x8f: {  	v2 =	vld [tilespmem:s30+$0x270];
	_ =	sdelay $0x4  }
0x90: {  	s20 =	spop (v2sf);
	[tilespmem:s12+$0xFFFFFF70] =	vst v2  }
0x91: {  	v2 =	vld [tilespmem:s20+$0x200];
	_ =	sdelay $0x4  }
0x92: {  	[tilespmem:s12+$0xFFFFFF80] =	vst v2  }
0x93: {  	v2 =	vld [tilespmem:s20+$0x210];
	_ =	sdelay $0x4  }
0x94: {  	[tilespmem:s12+$0xFFFFFF90] =	vst v2  }
0x95: {  	v2 =	vld [tilespmem:s20+$0x220];
	_ =	sdelay $0x4  }
0x96: {  	[tilespmem:s12+$0xFFFFFFA0] =	vst v2  }
0x97: {  	v2 =	vld [tilespmem:s20+$0x230];
	_ =	sdelay $0x4  }
0x98: {  	[tilespmem:s12+$0xFFFFFFB0] =	vst v2  }
0x99: {  	v2 =	vld [tilespmem:s20+$0x240];
	_ =	sdelay $0x4  }
0x9a: {  	[tilespmem:s12+$0xFFFFFFC0] =	vst v2  }
0x9b: {  	v2 =	vld [tilespmem:s20+$0x250];
	_ =	sdelay $0x1  }
0x9c: {  	(v2sf) =	vpush v0, $0x8;
	_ =	sdelay $0x1  }
0x9d: {  	s31 =	simm.s32 $0x10  }
0x9e: {  	s17 =	simm.s32 $0x80;
	s16 =	smov.u32 s12;
	s15 =	smov.u32 s12;
	[tilespmem:s12+$0xFFFFFFD0] =	vst v2;
	v2 =	vld.idx.msk [tilespmem:v1+s31+$0x0 ss:$0x1], $0xffff  }
.LBB2_3:
0x9f: {  	p0 =	sne.s32 s17, $0xC0;
	v3 =	vld [tilespmem:s20+$0x260];
	_ =	sdelay $0x4  }
0xa0: {  	v2 =	vshll.u32 v2, $0x9;
	[tilespmem:s16+$0xFFFFFFE0] =	vst v3  }
0xa1: {  	v2 =	vshra.s32 v2, $0x2;
	v3 =	vld [tilespmem:s20+$0x270]  }
0xa2: {  	(v2sf) =	vpush v2, $0x0;
	_ =	sdelay $0x3  }
0xa3: {  	[tilespmem:s16+$0xFFFFFFF0] =	vst v3;
	s19 =	spop (v2sf)  }
0xa4: {  	v3 =	vld [tilespmem:s19+$0x200];
	_ =	sdelay $0x4  }
0xa5: {  	[tilespmem:s16+$0x0] =	vst v3  }
0xa6: {  	v3 =	vld [tilespmem:s19+$0x210];
	_ =	sdelay $0x3  }
0xa7: {  	s18 =	spop (v2sf)  }
0xa8: {  	v4 =	vld [tilespmem:s18+$0x200];
	[tilespmem:s16+$0x10] =	vst v3  }
0xa9: {  	v3 =	vld [tilespmem:s19+$0x220];
	_ =	sdelay $0x2  }
0xaa: {  	s16 =	sadd.s32 $0x800, s16  }
0xab: {  	[tilespmem:s16+$0xFFFFFC00] =	vst v4  }
0xac: {  	v4 =	vld [tilespmem:s18+$0x210];
	[tilespmem:s15+$0x20] =	vst v3  }
0xad: {  	v3 =	vld [tilespmem:s19+$0x230];
	_ =	sdelay $0x3  }
0xae: {  	[tilespmem:s16+$0xFFFFFC10] =	vst v4  }
0xaf: {  	v4 =	vld [tilespmem:s18+$0x220];
	[tilespmem:s15+$0x30] =	vst v3  }
0xb0: {  	v3 =	vld [tilespmem:s19+$0x240];
	_ =	sdelay $0x3  }
0xb1: {  	[tilespmem:s16+$0xFFFFFC20] =	vst v4  }
0xb2: {  	v4 =	vld [tilespmem:s18+$0x230];
	[tilespmem:s15+$0x40] =	vst v3  }
0xb3: {  	v3 =	vld [tilespmem:s19+$0x250];
	_ =	sdelay $0x1  }
0xb4: {  	(v2sf) =	vpush v0, $0x9;
	_ =	sdelay $0x1  }
0xb5: {  	[tilespmem:s16+$0xFFFFFC30] =	vst v4  }
0xb6: {  	v4 =	vld [tilespmem:s18+$0x240];
	[tilespmem:s15+$0x50] =	vst v3  }
0xb7: {  	v3 =	vld [tilespmem:s19+$0x260];
	_ =	sdelay $0x3  }
0xb8: {  	[tilespmem:s16+$0xFFFFFC40] =	vst v4  }
0xb9: {  	v4 =	vld [tilespmem:s18+$0x250];
	[tilespmem:s15+$0x60] =	vst v3  }
0xba: {  	v3 =	vld [tilespmem:s19+$0x270]  }
0xbb: {  	(v2sf) =	vpush v2, $0x1;
	_ =	sdelay $0x2  }
0xbc: {  	[tilespmem:s16+$0xFFFFFC50] =	vst v4  }
0xbd: {  	v4 =	vld [tilespmem:s18+$0x260];
	[tilespmem:s15+$0x70] =	vst v3;
	s19 =	spop (v2sf)  }
0xbe: {  	v3 =	vld [tilespmem:s19+$0x200];
	_ =	sdelay $0x3  }
0xbf: {  	[tilespmem:s16+$0xFFFFFC60] =	vst v4  }
0xc0: {  	v4 =	vld [tilespmem:s18+$0x270];
	[tilespmem:s15+$0x80] =	vst v3  }
0xc1: {  	v3 =	vld [tilespmem:s19+$0x210];
	_ =	sdelay $0x3  }
0xc2: {  	[tilespmem:s16+$0xFFFFFC70] =	vst v4;
	s18 =	spop (v2sf)  }
0xc3: {  	v4 =	vld [tilespmem:s18+$0x200];
	[tilespmem:s15+$0x90] =	vst v3  }
0xc4: {  	v3 =	vld [tilespmem:s19+$0x220];
	_ =	sdelay $0x3  }
0xc5: {  	[tilespmem:s16+$0xFFFFFC80] =	vst v4  }
0xc6: {  	v4 =	vld [tilespmem:s18+$0x210];
	[tilespmem:s15+$0xA0] =	vst v3  }
0xc7: {  	v3 =	vld [tilespmem:s19+$0x230];
	_ =	sdelay $0x3  }
0xc8: {  	[tilespmem:s16+$0xFFFFFC90] =	vst v4  }
0xc9: {  	v4 =	vld [tilespmem:s18+$0x220];
	[tilespmem:s15+$0xB0] =	vst v3  }
0xca: {  	v3 =	vld [tilespmem:s19+$0x240];
	_ =	sdelay $0x3  }
0xcb: {  	[tilespmem:s16+$0xFFFFFCA0] =	vst v4  }
0xcc: {  	v4 =	vld [tilespmem:s18+$0x230];
	[tilespmem:s15+$0xC0] =	vst v3  }
0xcd: {  	v3 =	vld [tilespmem:s19+$0x250];
	_ =	sdelay $0x1  }
0xce: {  	(v2sf) =	vpush v0, $0xA;
	_ =	sdelay $0x1  }
0xcf: {  	[tilespmem:s16+$0xFFFFFCB0] =	vst v4  }
0xd0: {  	v4 =	vld [tilespmem:s18+$0x240];
	[tilespmem:s15+$0xD0] =	vst v3  }
0xd1: {  	v3 =	vld [tilespmem:s19+$0x260];
	_ =	sdelay $0x3  }
0xd2: {  	[tilespmem:s16+$0xFFFFFCC0] =	vst v4  }
0xd3: {  	v4 =	vld [tilespmem:s18+$0x250];
	[tilespmem:s15+$0xE0] =	vst v3  }
0xd4: {  	v3 =	vld [tilespmem:s19+$0x270]  }
0xd5: {  	(v2sf) =	vpush v2, $0x2;
	_ =	sdelay $0x2  }
0xd6: {  	[tilespmem:s16+$0xFFFFFCD0] =	vst v4  }
0xd7: {  	v4 =	vld [tilespmem:s18+$0x260];
	[tilespmem:s15+$0xF0] =	vst v3;
	s19 =	spop (v2sf)  }
0xd8: {  	v3 =	vld [tilespmem:s19+$0x200];
	_ =	sdelay $0x3  }
0xd9: {  	[tilespmem:s16+$0xFFFFFCE0] =	vst v4  }
0xda: {  	v4 =	vld [tilespmem:s18+$0x270];
	[tilespmem:s15+$0x100] =	vst v3  }
0xdb: {  	v3 =	vld [tilespmem:s19+$0x210];
	_ =	sdelay $0x3  }
0xdc: {  	[tilespmem:s16+$0xFFFFFCF0] =	vst v4;
	s18 =	spop (v2sf)  }
0xdd: {  	v4 =	vld [tilespmem:s18+$0x200];
	[tilespmem:s15+$0x110] =	vst v3  }
0xde: {  	v3 =	vld [tilespmem:s19+$0x220];
	_ =	sdelay $0x3  }
0xdf: {  	[tilespmem:s16+$0xFFFFFD00] =	vst v4  }
0xe0: {  	v4 =	vld [tilespmem:s18+$0x210];
	[tilespmem:s15+$0x120] =	vst v3  }
0xe1: {  	v3 =	vld [tilespmem:s19+$0x230];
	_ =	sdelay $0x3  }
0xe2: {  	[tilespmem:s16+$0xFFFFFD10] =	vst v4  }
0xe3: {  	v4 =	vld [tilespmem:s18+$0x220];
	[tilespmem:s15+$0x130] =	vst v3  }
0xe4: {  	v3 =	vld [tilespmem:s19+$0x240];
	_ =	sdelay $0x3  }
0xe5: {  	[tilespmem:s16+$0xFFFFFD20] =	vst v4  }
0xe6: {  	v4 =	vld [tilespmem:s18+$0x230];
	[tilespmem:s15+$0x140] =	vst v3  }
0xe7: {  	v3 =	vld [tilespmem:s19+$0x250];
	_ =	sdelay $0x1  }
0xe8: {  	(v2sf) =	vpush v0, $0xB;
	_ =	sdelay $0x1  }
0xe9: {  	[tilespmem:s16+$0xFFFFFD30] =	vst v4  }
0xea: {  	v4 =	vld [tilespmem:s18+$0x240];
	[tilespmem:s15+$0x150] =	vst v3  }
0xeb: {  	v3 =	vld [tilespmem:s19+$0x260];
	_ =	sdelay $0x3  }
0xec: {  	[tilespmem:s16+$0xFFFFFD40] =	vst v4  }
0xed: {  	v4 =	vld [tilespmem:s18+$0x250];
	[tilespmem:s15+$0x160] =	vst v3  }
0xee: {  	v3 =	vld [tilespmem:s19+$0x270]  }
0xef: {  	(v2sf) =	vpush v2, $0x3;
	_ =	sdelay $0x2  }
0xf0: {  	[tilespmem:s16+$0xFFFFFD50] =	vst v4  }
0xf1: {  	v4 =	vld [tilespmem:s18+$0x260];
	[tilespmem:s15+$0x170] =	vst v3;
	s19 =	spop (v2sf)  }
0xf2: {  	v3 =	vld [tilespmem:s19+$0x200];
	_ =	sdelay $0x3  }
0xf3: {  	[tilespmem:s16+$0xFFFFFD60] =	vst v4  }
0xf4: {  	v4 =	vld [tilespmem:s18+$0x270];
	[tilespmem:s15+$0x180] =	vst v3  }
0xf5: {  	v3 =	vld [tilespmem:s19+$0x210];
	_ =	sdelay $0x3  }
0xf6: {  	[tilespmem:s16+$0xFFFFFD70] =	vst v4;
	s18 =	spop (v2sf)  }
0xf7: {  	v4 =	vld [tilespmem:s18+$0x200];
	[tilespmem:s15+$0x190] =	vst v3  }
0xf8: {  	v3 =	vld [tilespmem:s19+$0x220];
	_ =	sdelay $0x3  }
0xf9: {  	[tilespmem:s16+$0xFFFFFD80] =	vst v4  }
0xfa: {  	v4 =	vld [tilespmem:s18+$0x210];
	[tilespmem:s15+$0x1A0] =	vst v3  }
0xfb: {  	v3 =	vld [tilespmem:s19+$0x230];
	_ =	sdelay $0x3  }
0xfc: {  	[tilespmem:s16+$0xFFFFFD90] =	vst v4  }
0xfd: {  	v4 =	vld [tilespmem:s18+$0x220];
	[tilespmem:s15+$0x1B0] =	vst v3  }
0xfe: {  	v3 =	vld [tilespmem:s19+$0x240];
	_ =	sdelay $0x3  }
0xff: {  	[tilespmem:s16+$0xFFFFFDA0] =	vst v4  }
0x100: {  	v4 =	vld [tilespmem:s18+$0x230];
	[tilespmem:s15+$0x1C0] =	vst v3  }
0x101: {  	v3 =	vld [tilespmem:s19+$0x250];
	_ =	sdelay $0x1  }
0x102: {  	(v2sf) =	vpush v0, $0xC;
	_ =	sdelay $0x1  }
0x103: {  	[tilespmem:s16+$0xFFFFFDB0] =	vst v4  }
0x104: {  	v4 =	vld [tilespmem:s18+$0x240];
	[tilespmem:s15+$0x1D0] =	vst v3  }
0x105: {  	v3 =	vld [tilespmem:s19+$0x260];
	_ =	sdelay $0x3  }
0x106: {  	[tilespmem:s16+$0xFFFFFDC0] =	vst v4  }
0x107: {  	v4 =	vld [tilespmem:s18+$0x250];
	[tilespmem:s15+$0x1E0] =	vst v3  }
0x108: {  	v3 =	vld [tilespmem:s19+$0x270]  }
0x109: {  	(v2sf) =	vpush v2, $0x4;
	_ =	sdelay $0x2  }
0x10a: {  	[tilespmem:s16+$0xFFFFFDD0] =	vst v4  }
0x10b: {  	v4 =	vld [tilespmem:s18+$0x260];
	[tilespmem:s15+$0x1F0] =	vst v3;
	s19 =	spop (v2sf)  }
0x10c: {  	v3 =	vld [tilespmem:s19+$0x200];
	_ =	sdelay $0x3  }
0x10d: {  	[tilespmem:s16+$0xFFFFFDE0] =	vst v4  }
0x10e: {  	v4 =	vld [tilespmem:s18+$0x270];
	[tilespmem:s15+$0x200] =	vst v3  }
0x10f: {  	v3 =	vld [tilespmem:s19+$0x210];
	_ =	sdelay $0x3  }
0x110: {  	[tilespmem:s16+$0xFFFFFDF0] =	vst v4;
	s18 =	spop (v2sf)  }
0x111: {  	v4 =	vld [tilespmem:s18+$0x200];
	[tilespmem:s15+$0x210] =	vst v3  }
0x112: {  	v3 =	vld [tilespmem:s19+$0x220];
	_ =	sdelay $0x3  }
0x113: {  	[tilespmem:s16+$0xFFFFFE00] =	vst v4  }
0x114: {  	v4 =	vld [tilespmem:s18+$0x210];
	[tilespmem:s15+$0x220] =	vst v3  }
0x115: {  	v3 =	vld [tilespmem:s19+$0x230];
	_ =	sdelay $0x3  }
0x116: {  	[tilespmem:s16+$0xFFFFFE10] =	vst v4  }
0x117: {  	v4 =	vld [tilespmem:s18+$0x220];
	[tilespmem:s15+$0x230] =	vst v3  }
0x118: {  	v3 =	vld [tilespmem:s19+$0x240];
	_ =	sdelay $0x3  }
0x119: {  	[tilespmem:s16+$0xFFFFFE20] =	vst v4  }
0x11a: {  	v4 =	vld [tilespmem:s18+$0x230];
	[tilespmem:s15+$0x240] =	vst v3  }
0x11b: {  	v3 =	vld [tilespmem:s19+$0x250];
	_ =	sdelay $0x1  }
0x11c: {  	(v2sf) =	vpush v0, $0xD;
	_ =	sdelay $0x1  }
0x11d: {  	[tilespmem:s16+$0xFFFFFE30] =	vst v4  }
0x11e: {  	v4 =	vld [tilespmem:s18+$0x240];
	[tilespmem:s15+$0x250] =	vst v3  }
0x11f: {  	v3 =	vld [tilespmem:s19+$0x260];
	_ =	sdelay $0x3  }
0x120: {  	[tilespmem:s16+$0xFFFFFE40] =	vst v4  }
0x121: {  	v4 =	vld [tilespmem:s18+$0x250];
	[tilespmem:s15+$0x260] =	vst v3  }
0x122: {  	v3 =	vld [tilespmem:s19+$0x270]  }
0x123: {  	(v2sf) =	vpush v2, $0x5;
	_ =	sdelay $0x2  }
0x124: {  	[tilespmem:s16+$0xFFFFFE50] =	vst v4  }
0x125: {  	v4 =	vld [tilespmem:s18+$0x260];
	[tilespmem:s15+$0x270] =	vst v3;
	s19 =	spop (v2sf)  }
0x126: {  	v3 =	vld [tilespmem:s19+$0x200];
	_ =	sdelay $0x3  }
0x127: {  	[tilespmem:s16+$0xFFFFFE60] =	vst v4  }
0x128: {  	v4 =	vld [tilespmem:s18+$0x270];
	[tilespmem:s15+$0x280] =	vst v3  }
0x129: {  	v3 =	vld [tilespmem:s19+$0x210];
	_ =	sdelay $0x3  }
0x12a: {  	[tilespmem:s16+$0xFFFFFE70] =	vst v4;
	s18 =	spop (v2sf)  }
0x12b: {  	v4 =	vld [tilespmem:s18+$0x200];
	[tilespmem:s15+$0x290] =	vst v3  }
0x12c: {  	v3 =	vld [tilespmem:s19+$0x220];
	_ =	sdelay $0x3  }
0x12d: {  	[tilespmem:s16+$0xFFFFFE80] =	vst v4  }
0x12e: {  	v4 =	vld [tilespmem:s18+$0x210];
	[tilespmem:s15+$0x2A0] =	vst v3  }
0x12f: {  	v3 =	vld [tilespmem:s19+$0x230];
	_ =	sdelay $0x3  }
0x130: {  	[tilespmem:s16+$0xFFFFFE90] =	vst v4  }
0x131: {  	v4 =	vld [tilespmem:s18+$0x220];
	[tilespmem:s15+$0x2B0] =	vst v3  }
0x132: {  	v3 =	vld [tilespmem:s19+$0x240];
	_ =	sdelay $0x3  }
0x133: {  	[tilespmem:s16+$0xFFFFFEA0] =	vst v4  }
0x134: {  	v4 =	vld [tilespmem:s18+$0x230];
	[tilespmem:s15+$0x2C0] =	vst v3  }
0x135: {  	v3 =	vld [tilespmem:s19+$0x250];
	_ =	sdelay $0x1  }
0x136: {  	(v2sf) =	vpush v0, $0xE;
	_ =	sdelay $0x1  }
0x137: {  	[tilespmem:s16+$0xFFFFFEB0] =	vst v4  }
0x138: {  	v4 =	vld [tilespmem:s18+$0x240];
	[tilespmem:s15+$0x2D0] =	vst v3  }
0x139: {  	v3 =	vld [tilespmem:s19+$0x260];
	_ =	sdelay $0x3  }
0x13a: {  	[tilespmem:s16+$0xFFFFFEC0] =	vst v4  }
0x13b: {  	v4 =	vld [tilespmem:s18+$0x250];
	[tilespmem:s15+$0x2E0] =	vst v3  }
0x13c: {  	v3 =	vld [tilespmem:s19+$0x270]  }
0x13d: {  	(v2sf) =	vpush v2, $0x6;
	_ =	sdelay $0x2  }
0x13e: {  	[tilespmem:s16+$0xFFFFFED0] =	vst v4  }
0x13f: {  	v4 =	vld [tilespmem:s18+$0x260];
	[tilespmem:s15+$0x2F0] =	vst v3;
	s19 =	spop (v2sf)  }
0x140: {  	v3 =	vld [tilespmem:s19+$0x200];
	_ =	sdelay $0x3  }
0x141: {  	[tilespmem:s16+$0xFFFFFEE0] =	vst v4  }
0x142: {  	v4 =	vld [tilespmem:s18+$0x270];
	[tilespmem:s15+$0x300] =	vst v3  }
0x143: {  	v3 =	vld [tilespmem:s19+$0x210];
	_ =	sdelay $0x3  }
0x144: {  	[tilespmem:s16+$0xFFFFFEF0] =	vst v4;
	s18 =	spop (v2sf)  }
0x145: {  	v4 =	vld [tilespmem:s18+$0x200];
	[tilespmem:s15+$0x310] =	vst v3  }
0x146: {  	v3 =	vld [tilespmem:s19+$0x220];
	_ =	sdelay $0x3  }
0x147: {  	[tilespmem:s16+$0xFFFFFF00] =	vst v4  }
0x148: {  	v4 =	vld [tilespmem:s18+$0x210];
	[tilespmem:s15+$0x320] =	vst v3  }
0x149: {  	v3 =	vld [tilespmem:s19+$0x230];
	_ =	sdelay $0x3  }
0x14a: {  	[tilespmem:s16+$0xFFFFFF10] =	vst v4  }
0x14b: {  	v4 =	vld [tilespmem:s18+$0x220];
	[tilespmem:s15+$0x330] =	vst v3  }
0x14c: {  	v3 =	vld [tilespmem:s19+$0x240];
	_ =	sdelay $0x3  }
0x14d: {  	[tilespmem:s16+$0xFFFFFF20] =	vst v4  }
0x14e: {  	v4 =	vld [tilespmem:s18+$0x230];
	[tilespmem:s15+$0x340] =	vst v3  }
0x14f: {  	v3 =	vld [tilespmem:s19+$0x250];
	_ =	sdelay $0x1  }
0x150: {  	(v2sf) =	vpush v0, $0xF;
	v0 =	vmov v2;
	_ =	sdelay $0x1  }
0x151: {  	[tilespmem:s16+$0xFFFFFF30] =	vst v4  }
0x152: {  	v2 =	vld [tilespmem:s18+$0x240];
	[tilespmem:s15+$0x350] =	vst v3  }
0x153: {  	v3 =	vld [tilespmem:s19+$0x260];
	_ =	sdelay $0x3  }
0x154: {  	[tilespmem:s16+$0xFFFFFF40] =	vst v2  }
0x155: {  	v2 =	vld [tilespmem:s18+$0x250];
	[tilespmem:s15+$0x360] =	vst v3  }
0x156: {  	v3 =	vld [tilespmem:s19+$0x270]  }
0x157: {  	(v2sf) =	vpush v0, $0x7;
	_ =	sdelay $0x2  }
0x158: {  	[tilespmem:s16+$0xFFFFFF50] =	vst v2  }
0x159: {  	v2 =	vld [tilespmem:s18+$0x260];
	[tilespmem:s15+$0x370] =	vst v3;
	s19 =	spop (v2sf)  }
0x15a: {  	v3 =	vld [tilespmem:s19+$0x200];
	_ =	sdelay $0x3  }
0x15b: {  	[tilespmem:s16+$0xFFFFFF60] =	vst v2  }
0x15c: {  	v2 =	vld [tilespmem:s18+$0x270];
	[tilespmem:s15+$0x380] =	vst v3  }
0x15d: {  	v3 =	vld [tilespmem:s19+$0x210];
	_ =	sdelay $0x3  }
0x15e: {  	[tilespmem:s16+$0xFFFFFF70] =	vst v2;
	s20 =	spop (v2sf)  }
0x15f: {  	v2 =	vld [tilespmem:s20+$0x200];
	[tilespmem:s15+$0x390] =	vst v3  }
0x160: {  	v3 =	vld [tilespmem:s19+$0x220];
	_ =	sdelay $0x3  }
0x161: {  	[tilespmem:s16+$0xFFFFFF80] =	vst v2  }
0x162: {  	v2 =	vld [tilespmem:s20+$0x210];
	[tilespmem:s15+$0x3A0] =	vst v3  }
0x163: {  	v3 =	vld [tilespmem:s19+$0x230];
	_ =	sdelay $0x3  }
0x164: {  	[tilespmem:s16+$0xFFFFFF90] =	vst v2  }
0x165: {  	v2 =	vld [tilespmem:s20+$0x220];
	[tilespmem:s15+$0x3B0] =	vst v3  }
0x166: {  	v3 =	vld [tilespmem:s19+$0x240];
	_ =	sdelay $0x3  }
0x167: {  	[tilespmem:s16+$0xFFFFFFA0] =	vst v2  }
0x168: {  	v2 =	vld [tilespmem:s20+$0x230];
	[tilespmem:s15+$0x3C0] =	vst v3  }
0x169: {  	v3 =	vld [tilespmem:s19+$0x250];
	_ =	sdelay $0x3  }
0x16a: {  	[tilespmem:s16+$0xFFFFFFB0] =	vst v2  }
0x16b: {  	v2 =	vld [tilespmem:s20+$0x240];
	[tilespmem:s15+$0x3D0] =	vst v3  }
0x16c: {  	v3 =	vld [tilespmem:s19+$0x260];
	_ =	sdelay $0x3  }
0x16d: {  	[tilespmem:s16+$0xFFFFFFC0] =	vst v2  }
0x16e: {  	v2 =	vld [tilespmem:s20+$0x250];
	[tilespmem:s15+$0x3E0] =	vst v3  }
0x16f: {  	v3 =	vld [tilespmem:s19+$0x270]  }
.Ltmp0:
0x170: {  	(pc) =	sbr.rel @p0 .LBB2_3-.Ltmp0, $3  }
0x171: {  	(v2sf) =	vpush v0, $0x8;
	_ =	sdelay $0x1  }
0x172: {  	s18 =	sshra.s32 s17, $0x2;
	[tilespmem:s16+$0xFFFFFFD0] =	vst v2  }
0x173: {  	s17 =	sadd.s32 $0x40, s17;
	v2 =	vld.idx.msk [tilespmem:v1+s18+$0x0 ss:$0x1], $0xffff;
	[tilespmem:s15+$0x3F0] =	vst v3;
	s15 =	smov.u32 s16  }
0x174: {  	_ =	sdelay $0x3  }
0x175: {  	v1 =	vshll.u32 v2, $0x9  }
0x176: {  	v1 =	vshra.s32 v1, $0x2  }
0x177: {  	(v2sf) =	vpush v1, $0x0;
	_ =	sdelay $0xd  }
0x178: {  	s26 =	spop (v2sf)  }
0x179: {  	s18 =	spop (v2sf)  }
0x17a: {  	v60 =	vld [tilespmem:s18+$0x200];
	_ =	sdelay $0x3  }
0x17b: {  	s17 =	sadd.s32 $0x800, s16  }
0x17c: {  	[tilespmem:s17+$0xFFFFFC00] =	vst v60  }
0x17d: {  	v2 =	vld [tilespmem:s18+$0x210];
	_ =	sdelay $0x4  }
0x17e: {  	[tilespmem:s17+$0xFFFFFC10] =	vst v2  }
0x17f: {  	v2 =	vld [tilespmem:s18+$0x220];
	_ =	sdelay $0x4  }
0x180: {  	[tilespmem:s17+$0xFFFFFC20] =	vst v2  }
0x181: {  	v2 =	vld [tilespmem:s18+$0x230];
	_ =	sdelay $0x4  }
0x182: {  	[tilespmem:s17+$0xFFFFFC30] =	vst v2  }
0x183: {  	v2 =	vld [tilespmem:s18+$0x240];
	_ =	sdelay $0x4  }
0x184: {  	[tilespmem:s17+$0xFFFFFC40] =	vst v2  }
0x185: {  	v2 =	vld [tilespmem:s18+$0x250]  }
0x186: {  	(v2sf) =	vpush v0, $0x9  }
0x187: {  	(v2sf) =	vpush v1, $0x1;
	_ =	sdelay $0x2  }
0x188: {  	[tilespmem:s17+$0xFFFFFC50] =	vst v2  }
0x189: {  	v2 =	vld [tilespmem:s18+$0x260];
	_ =	sdelay $0x4  }
0x18a: {  	[tilespmem:s17+$0xFFFFFC60] =	vst v2  }
0x18b: {  	v2 =	vld [tilespmem:s18+$0x270];
	_ =	sdelay $0x3  }
0x18c: {  	s25 =	spop (v2sf)  }
0x18d: {  	s28 =	spop (v2sf);
	[tilespmem:s17+$0xFFFFFC70] =	vst v2  }
0x18e: {  	v2 =	vld [tilespmem:s28+$0x200];
	_ =	sdelay $0x4  }
0x18f: {  	[tilespmem:s17+$0xFFFFFC80] =	vst v2  }
0x190: {  	v2 =	vld [tilespmem:s28+$0x210];
	_ =	sdelay $0x4  }
0x191: {  	[tilespmem:s17+$0xFFFFFC90] =	vst v2  }
0x192: {  	v2 =	vld [tilespmem:s28+$0x220];
	_ =	sdelay $0x4  }
0x193: {  	[tilespmem:s17+$0xFFFFFCA0] =	vst v2  }
0x194: {  	v2 =	vld [tilespmem:s28+$0x230];
	_ =	sdelay $0x4  }
0x195: {  	[tilespmem:s17+$0xFFFFFCB0] =	vst v2  }
0x196: {  	v2 =	vld [tilespmem:s28+$0x240];
	_ =	sdelay $0x4  }
0x197: {  	[tilespmem:s17+$0xFFFFFCC0] =	vst v2  }
0x198: {  	v2 =	vld [tilespmem:s28+$0x250]  }
0x199: {  	(v2sf) =	vpush v0, $0xA  }
0x19a: {  	(v2sf) =	vpush v1, $0x2;
	_ =	sdelay $0x2  }
0x19b: {  	[tilespmem:s17+$0xFFFFFCD0] =	vst v2  }
0x19c: {  	v2 =	vld [tilespmem:s28+$0x260];
	_ =	sdelay $0x4  }
0x19d: {  	[tilespmem:s17+$0xFFFFFCE0] =	vst v2  }
0x19e: {  	v2 =	vld [tilespmem:s28+$0x270];
	_ =	sdelay $0x3  }
0x19f: {  	s24 =	spop (v2sf)  }
0x1a0: {  	s29 =	spop (v2sf);
	[tilespmem:s17+$0xFFFFFCF0] =	vst v2  }
0x1a1: {  	v2 =	vld [tilespmem:s29+$0x200];
	_ =	sdelay $0x4  }
0x1a2: {  	[tilespmem:s17+$0xFFFFFD00] =	vst v2  }
0x1a3: {  	v2 =	vld [tilespmem:s29+$0x210];
	_ =	sdelay $0x4  }
0x1a4: {  	[tilespmem:s17+$0xFFFFFD10] =	vst v2  }
0x1a5: {  	v2 =	vld [tilespmem:s29+$0x220];
	_ =	sdelay $0x4  }
0x1a6: {  	[tilespmem:s17+$0xFFFFFD20] =	vst v2  }
0x1a7: {  	v2 =	vld [tilespmem:s29+$0x230];
	_ =	sdelay $0x4  }
0x1a8: {  	[tilespmem:s17+$0xFFFFFD30] =	vst v2  }
0x1a9: {  	v2 =	vld [tilespmem:s29+$0x240];
	_ =	sdelay $0x4  }
0x1aa: {  	[tilespmem:s17+$0xFFFFFD40] =	vst v2  }
0x1ab: {  	v2 =	vld [tilespmem:s29+$0x250]  }
0x1ac: {  	(v2sf) =	vpush v0, $0xB  }
0x1ad: {  	(v2sf) =	vpush v1, $0x3;
	_ =	sdelay $0x2  }
0x1ae: {  	[tilespmem:s17+$0xFFFFFD50] =	vst v2  }
0x1af: {  	v2 =	vld [tilespmem:s29+$0x260];
	_ =	sdelay $0x4  }
0x1b0: {  	[tilespmem:s17+$0xFFFFFD60] =	vst v2  }
0x1b1: {  	v2 =	vld [tilespmem:s29+$0x270];
	_ =	sdelay $0x3  }
0x1b2: {  	s23 =	spop (v2sf)  }
0x1b3: {  	s30 =	spop (v2sf);
	[tilespmem:s17+$0xFFFFFD70] =	vst v2  }
0x1b4: {  	v2 =	vld [tilespmem:s30+$0x200];
	_ =	sdelay $0x4  }
0x1b5: {  	[tilespmem:s17+$0xFFFFFD80] =	vst v2  }
0x1b6: {  	v2 =	vld [tilespmem:s30+$0x210];
	_ =	sdelay $0x4  }
0x1b7: {  	[tilespmem:s17+$0xFFFFFD90] =	vst v2  }
0x1b8: {  	v2 =	vld [tilespmem:s30+$0x220];
	_ =	sdelay $0x4  }
0x1b9: {  	[tilespmem:s17+$0xFFFFFDA0] =	vst v2  }
0x1ba: {  	v2 =	vld [tilespmem:s30+$0x230];
	_ =	sdelay $0x4  }
0x1bb: {  	[tilespmem:s17+$0xFFFFFDB0] =	vst v2  }
0x1bc: {  	v2 =	vld [tilespmem:s30+$0x240];
	_ =	sdelay $0x4  }
0x1bd: {  	[tilespmem:s17+$0xFFFFFDC0] =	vst v2  }
0x1be: {  	v2 =	vld [tilespmem:s30+$0x250]  }
0x1bf: {  	(v2sf) =	vpush v0, $0xC  }
0x1c0: {  	(v2sf) =	vpush v1, $0x4;
	_ =	sdelay $0x2  }
0x1c1: {  	[tilespmem:s17+$0xFFFFFDD0] =	vst v2  }
0x1c2: {  	v2 =	vld [tilespmem:s30+$0x260];
	_ =	sdelay $0x4  }
0x1c3: {  	[tilespmem:s17+$0xFFFFFDE0] =	vst v2  }
0x1c4: {  	v2 =	vld [tilespmem:s30+$0x270];
	_ =	sdelay $0x3  }
0x1c5: {  	s22 =	spop (v2sf)  }
0x1c6: {  	s31 =	spop (v2sf);
	[tilespmem:s17+$0xFFFFFDF0] =	vst v2  }
0x1c7: {  	v2 =	vld [tilespmem:s31+$0x200];
	_ =	sdelay $0x4  }
0x1c8: {  	[tilespmem:s17+$0xFFFFFE00] =	vst v2  }
0x1c9: {  	v2 =	vld [tilespmem:s31+$0x210];
	_ =	sdelay $0x4  }
0x1ca: {  	[tilespmem:s17+$0xFFFFFE10] =	vst v2  }
0x1cb: {  	v2 =	vld [tilespmem:s31+$0x220];
	_ =	sdelay $0x4  }
0x1cc: {  	[tilespmem:s17+$0xFFFFFE20] =	vst v2  }
0x1cd: {  	v2 =	vld [tilespmem:s31+$0x230];
	_ =	sdelay $0x4  }
0x1ce: {  	[tilespmem:s17+$0xFFFFFE30] =	vst v2  }
0x1cf: {  	v2 =	vld [tilespmem:s31+$0x240];
	_ =	sdelay $0x4  }
0x1d0: {  	[tilespmem:s17+$0xFFFFFE40] =	vst v2  }
0x1d1: {  	v2 =	vld [tilespmem:s31+$0x250]  }
0x1d2: {  	(v2sf) =	vpush v0, $0xD  }
0x1d3: {  	(v2sf) =	vpush v1, $0x5;
	_ =	sdelay $0x2  }
0x1d4: {  	[tilespmem:s17+$0xFFFFFE50] =	vst v2  }
0x1d5: {  	v2 =	vld [tilespmem:s31+$0x260];
	_ =	sdelay $0x4  }
0x1d6: {  	[tilespmem:s17+$0xFFFFFE60] =	vst v2  }
0x1d7: {  	v2 =	vld [tilespmem:s31+$0x270];
	_ =	sdelay $0x3  }
0x1d8: {  	s21 =	spop (v2sf)  }
0x1d9: {  	s19 =	spop (v2sf);
	[tilespmem:s17+$0xFFFFFE70] =	vst v2  }
0x1da: {  	v2 =	vld [tilespmem:s19+$0x200];
	_ =	sdelay $0x4  }
0x1db: {  	[tilespmem:s17+$0xFFFFFE80] =	vst v2  }
0x1dc: {  	v2 =	vld [tilespmem:s19+$0x210];
	_ =	sdelay $0x4  }
0x1dd: {  	[tilespmem:s17+$0xFFFFFE90] =	vst v2  }
0x1de: {  	v2 =	vld [tilespmem:s19+$0x220];
	_ =	sdelay $0x4  }
0x1df: {  	[tilespmem:s17+$0xFFFFFEA0] =	vst v2  }
0x1e0: {  	v2 =	vld [tilespmem:s19+$0x230];
	_ =	sdelay $0x4  }
0x1e1: {  	[tilespmem:s17+$0xFFFFFEB0] =	vst v2  }
0x1e2: {  	v2 =	vld [tilespmem:s19+$0x240];
	_ =	sdelay $0x4  }
0x1e3: {  	[tilespmem:s17+$0xFFFFFEC0] =	vst v2  }
0x1e4: {  	v2 =	vld [tilespmem:s19+$0x250]  }
0x1e5: {  	(v2sf) =	vpush v0, $0xE  }
0x1e6: {  	(v2sf) =	vpush v1, $0x6;
	_ =	sdelay $0x2  }
0x1e7: {  	[tilespmem:s17+$0xFFFFFED0] =	vst v2  }
0x1e8: {  	v2 =	vld [tilespmem:s19+$0x260];
	_ =	sdelay $0x4  }
0x1e9: {  	[tilespmem:s17+$0xFFFFFEE0] =	vst v2  }
0x1ea: {  	v2 =	vld [tilespmem:s19+$0x270];
	_ =	sdelay $0x3  }
0x1eb: {  	s19 =	spop (v2sf)  }
0x1ec: {  	s28 =	spop (v2sf);
	[tilespmem:s17+$0xFFFFFEF0] =	vst v2  }
0x1ed: {  	v2 =	vld [tilespmem:s28+$0x200];
	_ =	sdelay $0x4  }
0x1ee: {  	[tilespmem:s17+$0xFFFFFF00] =	vst v2  }
0x1ef: {  	v2 =	vld [tilespmem:s28+$0x210];
	_ =	sdelay $0x4  }
0x1f0: {  	[tilespmem:s17+$0xFFFFFF10] =	vst v2  }
0x1f1: {  	v2 =	vld [tilespmem:s28+$0x220];
	_ =	sdelay $0x4  }
0x1f2: {  	[tilespmem:s17+$0xFFFFFF20] =	vst v2  }
0x1f3: {  	v2 =	vld [tilespmem:s28+$0x230];
	_ =	sdelay $0x4  }
0x1f4: {  	[tilespmem:s17+$0xFFFFFF30] =	vst v2  }
0x1f5: {  	v2 =	vld [tilespmem:s28+$0x240];
	_ =	sdelay $0x4  }
0x1f6: {  	[tilespmem:s17+$0xFFFFFF40] =	vst v2  }
0x1f7: {  	v2 =	vld [tilespmem:s28+$0x250]  }
0x1f8: {  	(v2sf) =	vpush v0, $0xF  }
0x1f9: {  	(v2sf) =	vpush v1, $0x7;
	_ =	sdelay $0x2  }
0x1fa: {  	[tilespmem:s17+$0xFFFFFF50] =	vst v2  }
0x1fb: {  	v61 =	vld [tilespmem:s28+$0x260];
	_ =	sdelay $0x4  }
0x1fc: {  	[tilespmem:s17+$0xFFFFFF60] =	vst v61  }
0x1fd: {  	v0 =	vld [tilespmem:s28+$0x270];
	_ =	sdelay $0x3  }
0x1fe: {  	s18 =	spop (v2sf)  }
0x1ff: {  	s28 =	spop (v2sf);
	[tilespmem:s17+$0xFFFFFF70] =	vst v0  }
0x200: {  	v0 =	vld [tilespmem:s28+$0x200];
	_ =	sdelay $0x4  }
0x201: {  	[tilespmem:s17+$0xFFFFFF80] =	vst v0  }
0x202: {  	v0 =	vld [tilespmem:s28+$0x210];
	_ =	sdelay $0x4  }
0x203: {  	[tilespmem:s17+$0xFFFFFF90] =	vst v0  }
0x204: {  	v0 =	vld [tilespmem:s28+$0x220];
	_ =	sdelay $0x4  }
0x205: {  	[tilespmem:s17+$0xFFFFFFA0] =	vst v0  }
0x206: {  	v0 =	vld [tilespmem:s28+$0x230];
	_ =	sdelay $0x4  }
0x207: {  	[tilespmem:s17+$0xFFFFFFB0] =	vst v0  }
0x208: {  	v0 =	vld [tilespmem:s28+$0x240];
	_ =	sdelay $0x4  }
0x209: {  	[tilespmem:s17+$0xFFFFFFC0] =	vst v0  }
0x20a: {  	v0 =	vld [tilespmem:s28+$0x250];
	_ =	sdelay $0x1  }
0x20b: {  	(v2sf) =	vpush v1, $0x8;
	_ =	sdelay $0x2  }
0x20c: {  	v62 =	vld [tilespmem:s20+$0x260];
	[tilespmem:s17+$0xFFFFFFD0] =	vst v0  }
0x20d: {  	v0 =	vld [tilespmem:s28+$0x260];
	_ =	sdelay $0x3  }
0x20e: {  	[tilespmem:s16+$0xFFFFFFE0] =	vst v62  }
0x20f: {  	v2 =	vld [tilespmem:s20+$0x270];
	[tilespmem:s17+$0xFFFFFFE0] =	vst v0  }
0x210: {  	v0 =	vld [tilespmem:s28+$0x270];
	_ =	sdelay $0x3  }
0x211: {  	[tilespmem:s16+$0xFFFFFFF0] =	vst v2  }
0x212: {  	v2 =	vld [tilespmem:s26+$0x200];
	s29 =	spop (v2sf);
	[tilespmem:s17+$0xFFFFFFF0] =	vst v0  }
0x213: {  	v0 =	vld [tilespmem:s29+$0x200];
	_ =	sdelay $0x3  }
0x214: {  	[tilespmem:s16+$0x0] =	vst v2  }
0x215: {  	v2 =	vld [tilespmem:s26+$0x210];
	[tilespmem:s17+$0x0] =	vst v0  }
0x216: {  	v0 =	vld [tilespmem:s29+$0x210];
	_ =	sdelay $0x3  }
0x217: {  	[tilespmem:s16+$0x10] =	vst v2  }
0x218: {  	v2 =	vld [tilespmem:s26+$0x220];
	[tilespmem:s17+$0x10] =	vst v0  }
0x219: {  	v0 =	vld [tilespmem:s29+$0x220];
	_ =	sdelay $0x3  }
0x21a: {  	[tilespmem:s15+$0x20] =	vst v2  }
0x21b: {  	v2 =	vld [tilespmem:s26+$0x230];
	[tilespmem:s17+$0x20] =	vst v0  }
0x21c: {  	v0 =	vld [tilespmem:s29+$0x230];
	_ =	sdelay $0x3  }
0x21d: {  	[tilespmem:s15+$0x30] =	vst v2  }
0x21e: {  	v2 =	vld [tilespmem:s26+$0x240];
	[tilespmem:s17+$0x30] =	vst v0  }
0x21f: {  	v0 =	vld [tilespmem:s29+$0x240];
	_ =	sdelay $0x3  }
0x220: {  	[tilespmem:s15+$0x40] =	vst v2  }
0x221: {  	v2 =	vld [tilespmem:s26+$0x250];
	[tilespmem:s17+$0x40] =	vst v0  }
0x222: {  	v0 =	vld [tilespmem:s29+$0x250];
	_ =	sdelay $0x1  }
0x223: {  	(v2sf) =	vpush v1, $0x9;
	_ =	sdelay $0x1  }
0x224: {  	[tilespmem:s15+$0x50] =	vst v2  }
0x225: {  	v2 =	vld [tilespmem:s26+$0x260];
	[tilespmem:s17+$0x50] =	vst v0  }
0x226: {  	v0 =	vld [tilespmem:s29+$0x260];
	_ =	sdelay $0x3  }
0x227: {  	[tilespmem:s15+$0x60] =	vst v2  }
0x228: {  	v2 =	vld [tilespmem:s26+$0x270];
	[tilespmem:s17+$0x60] =	vst v0  }
0x229: {  	v0 =	vld [tilespmem:s29+$0x270];
	_ =	sdelay $0x3  }
0x22a: {  	[tilespmem:s15+$0x70] =	vst v2  }
0x22b: {  	s30 =	spop (v2sf);
	v2 =	vld [tilespmem:s25+$0x200];
	[tilespmem:s17+$0x70] =	vst v0  }
0x22c: {  	v0 =	vld [tilespmem:s30+$0x200];
	_ =	sdelay $0x3  }
0x22d: {  	[tilespmem:s15+$0x80] =	vst v2  }
0x22e: {  	v2 =	vld [tilespmem:s25+$0x210];
	[tilespmem:s17+$0x80] =	vst v0  }
0x22f: {  	v0 =	vld [tilespmem:s30+$0x210];
	_ =	sdelay $0x3  }
0x230: {  	[tilespmem:s15+$0x90] =	vst v2  }
0x231: {  	v2 =	vld [tilespmem:s25+$0x220];
	[tilespmem:s17+$0x90] =	vst v0  }
0x232: {  	v0 =	vld [tilespmem:s30+$0x220];
	_ =	sdelay $0x3  }
0x233: {  	[tilespmem:s15+$0xA0] =	vst v2  }
0x234: {  	v2 =	vld [tilespmem:s25+$0x230];
	[tilespmem:s17+$0xA0] =	vst v0  }
0x235: {  	v0 =	vld [tilespmem:s30+$0x230];
	_ =	sdelay $0x3  }
0x236: {  	[tilespmem:s15+$0xB0] =	vst v2  }
0x237: {  	v2 =	vld [tilespmem:s25+$0x240];
	[tilespmem:s17+$0xB0] =	vst v0  }
0x238: {  	v0 =	vld [tilespmem:s30+$0x240];
	_ =	sdelay $0x3  }
0x239: {  	[tilespmem:s15+$0xC0] =	vst v2  }
0x23a: {  	v2 =	vld [tilespmem:s25+$0x250];
	[tilespmem:s17+$0xC0] =	vst v0  }
0x23b: {  	v0 =	vld [tilespmem:s30+$0x250];
	_ =	sdelay $0x1  }
0x23c: {  	(v2sf) =	vpush v1, $0xA;
	_ =	sdelay $0x1  }
0x23d: {  	[tilespmem:s15+$0xD0] =	vst v2  }
0x23e: {  	v2 =	vld [tilespmem:s25+$0x260];
	[tilespmem:s17+$0xD0] =	vst v0  }
0x23f: {  	v0 =	vld [tilespmem:s30+$0x260];
	_ =	sdelay $0x3  }
0x240: {  	[tilespmem:s15+$0xE0] =	vst v2  }
0x241: {  	v2 =	vld [tilespmem:s25+$0x270];
	[tilespmem:s17+$0xE0] =	vst v0  }
0x242: {  	v0 =	vld [tilespmem:s30+$0x270];
	_ =	sdelay $0x3  }
0x243: {  	[tilespmem:s15+$0xF0] =	vst v2  }
0x244: {  	s31 =	spop (v2sf);
	v2 =	vld [tilespmem:s24+$0x200];
	[tilespmem:s17+$0xF0] =	vst v0  }
0x245: {  	v0 =	vld [tilespmem:s31+$0x200];
	_ =	sdelay $0x3  }
0x246: {  	[tilespmem:s15+$0x100] =	vst v2  }
0x247: {  	v2 =	vld [tilespmem:s24+$0x210];
	[tilespmem:s17+$0x100] =	vst v0  }
0x248: {  	v0 =	vld [tilespmem:s31+$0x210];
	_ =	sdelay $0x3  }
0x249: {  	[tilespmem:s15+$0x110] =	vst v2  }
0x24a: {  	v2 =	vld [tilespmem:s24+$0x220];
	[tilespmem:s17+$0x110] =	vst v0  }
0x24b: {  	v0 =	vld [tilespmem:s31+$0x220];
	_ =	sdelay $0x3  }
0x24c: {  	[tilespmem:s15+$0x120] =	vst v2  }
0x24d: {  	v2 =	vld [tilespmem:s24+$0x230];
	[tilespmem:s17+$0x120] =	vst v0  }
0x24e: {  	v0 =	vld [tilespmem:s31+$0x230];
	_ =	sdelay $0x3  }
0x24f: {  	[tilespmem:s15+$0x130] =	vst v2  }
0x250: {  	v2 =	vld [tilespmem:s24+$0x240];
	[tilespmem:s17+$0x130] =	vst v0  }
0x251: {  	v0 =	vld [tilespmem:s31+$0x240];
	_ =	sdelay $0x3  }
0x252: {  	[tilespmem:s15+$0x140] =	vst v2  }
0x253: {  	v2 =	vld [tilespmem:s24+$0x250];
	[tilespmem:s17+$0x140] =	vst v0  }
0x254: {  	v0 =	vld [tilespmem:s31+$0x250];
	_ =	sdelay $0x1  }
0x255: {  	(v2sf) =	vpush v1, $0xB;
	_ =	sdelay $0x1  }
0x256: {  	[tilespmem:s15+$0x150] =	vst v2  }
0x257: {  	v2 =	vld [tilespmem:s24+$0x260];
	[tilespmem:s17+$0x150] =	vst v0  }
0x258: {  	v0 =	vld [tilespmem:s31+$0x260];
	_ =	sdelay $0x3  }
0x259: {  	[tilespmem:s15+$0x160] =	vst v2  }
0x25a: {  	v2 =	vld [tilespmem:s24+$0x270];
	[tilespmem:s17+$0x160] =	vst v0  }
0x25b: {  	v0 =	vld [tilespmem:s31+$0x270];
	_ =	sdelay $0x3  }
0x25c: {  	[tilespmem:s15+$0x170] =	vst v2  }
0x25d: {  	s20 =	spop (v2sf);
	v2 =	vld [tilespmem:s23+$0x200];
	[tilespmem:s17+$0x170] =	vst v0  }
0x25e: {  	v0 =	vld [tilespmem:s20+$0x200];
	_ =	sdelay $0x3  }
0x25f: {  	[tilespmem:s15+$0x180] =	vst v2  }
0x260: {  	v2 =	vld [tilespmem:s23+$0x210];
	[tilespmem:s17+$0x180] =	vst v0  }
0x261: {  	v0 =	vld [tilespmem:s20+$0x210];
	_ =	sdelay $0x3  }
0x262: {  	[tilespmem:s15+$0x190] =	vst v2  }
0x263: {  	v2 =	vld [tilespmem:s23+$0x220];
	[tilespmem:s17+$0x190] =	vst v0  }
0x264: {  	v0 =	vld [tilespmem:s20+$0x220];
	_ =	sdelay $0x3  }
0x265: {  	[tilespmem:s15+$0x1A0] =	vst v2  }
0x266: {  	v2 =	vld [tilespmem:s23+$0x230];
	[tilespmem:s17+$0x1A0] =	vst v0  }
0x267: {  	v0 =	vld [tilespmem:s20+$0x230];
	_ =	sdelay $0x3  }
0x268: {  	[tilespmem:s15+$0x1B0] =	vst v2  }
0x269: {  	v2 =	vld [tilespmem:s23+$0x240];
	[tilespmem:s17+$0x1B0] =	vst v0  }
0x26a: {  	v0 =	vld [tilespmem:s20+$0x240];
	_ =	sdelay $0x3  }
0x26b: {  	[tilespmem:s15+$0x1C0] =	vst v2  }
0x26c: {  	v2 =	vld [tilespmem:s23+$0x250];
	[tilespmem:s17+$0x1C0] =	vst v0  }
0x26d: {  	v0 =	vld [tilespmem:s20+$0x250];
	_ =	sdelay $0x1  }
0x26e: {  	(v2sf) =	vpush v1, $0xC;
	_ =	sdelay $0x1  }
0x26f: {  	[tilespmem:s15+$0x1D0] =	vst v2  }
0x270: {  	v2 =	vld [tilespmem:s23+$0x260];
	[tilespmem:s17+$0x1D0] =	vst v0  }
0x271: {  	v0 =	vld [tilespmem:s20+$0x260];
	_ =	sdelay $0x3  }
0x272: {  	[tilespmem:s15+$0x1E0] =	vst v2  }
0x273: {  	v2 =	vld [tilespmem:s23+$0x270];
	[tilespmem:s17+$0x1E0] =	vst v0  }
0x274: {  	v0 =	vld [tilespmem:s20+$0x270];
	_ =	sdelay $0x3  }
0x275: {  	[tilespmem:s15+$0x1F0] =	vst v2  }
0x276: {  	s24 =	spop (v2sf);
	v2 =	vld [tilespmem:s22+$0x200];
	[tilespmem:s17+$0x1F0] =	vst v0  }
0x277: {  	v0 =	vld [tilespmem:s24+$0x200];
	_ =	sdelay $0x3  }
0x278: {  	[tilespmem:s15+$0x200] =	vst v2  }
0x279: {  	v2 =	vld [tilespmem:s22+$0x210];
	[tilespmem:s17+$0x200] =	vst v0  }
0x27a: {  	v0 =	vld [tilespmem:s24+$0x210];
	_ =	sdelay $0x3  }
0x27b: {  	[tilespmem:s15+$0x210] =	vst v2  }
0x27c: {  	v2 =	vld [tilespmem:s22+$0x220];
	[tilespmem:s17+$0x210] =	vst v0  }
0x27d: {  	v0 =	vld [tilespmem:s24+$0x220];
	_ =	sdelay $0x3  }
0x27e: {  	[tilespmem:s15+$0x220] =	vst v2  }
0x27f: {  	v2 =	vld [tilespmem:s22+$0x230];
	[tilespmem:s17+$0x220] =	vst v0  }
0x280: {  	v0 =	vld [tilespmem:s24+$0x230];
	_ =	sdelay $0x3  }
0x281: {  	[tilespmem:s15+$0x230] =	vst v2  }
0x282: {  	v2 =	vld [tilespmem:s22+$0x240];
	[tilespmem:s17+$0x230] =	vst v0  }
0x283: {  	v0 =	vld [tilespmem:s24+$0x240];
	_ =	sdelay $0x3  }
0x284: {  	[tilespmem:s15+$0x240] =	vst v2  }
0x285: {  	v2 =	vld [tilespmem:s22+$0x250];
	[tilespmem:s17+$0x240] =	vst v0  }
0x286: {  	v0 =	vld [tilespmem:s24+$0x250];
	_ =	sdelay $0x1  }
0x287: {  	(v2sf) =	vpush v1, $0xD;
	_ =	sdelay $0x1  }
0x288: {  	[tilespmem:s15+$0x250] =	vst v2  }
0x289: {  	v2 =	vld [tilespmem:s22+$0x260];
	[tilespmem:s17+$0x250] =	vst v0  }
0x28a: {  	v0 =	vld [tilespmem:s24+$0x260];
	_ =	sdelay $0x3  }
0x28b: {  	[tilespmem:s15+$0x260] =	vst v2  }
0x28c: {  	v2 =	vld [tilespmem:s22+$0x270];
	[tilespmem:s17+$0x260] =	vst v0  }
0x28d: {  	v0 =	vld [tilespmem:s24+$0x270];
	_ =	sdelay $0x3  }
0x28e: {  	[tilespmem:s15+$0x270] =	vst v2  }
0x28f: {  	s25 =	spop (v2sf);
	v2 =	vld [tilespmem:s21+$0x200];
	[tilespmem:s17+$0x270] =	vst v0  }
0x290: {  	v0 =	vld [tilespmem:s25+$0x200];
	_ =	sdelay $0x3  }
0x291: {  	[tilespmem:s15+$0x280] =	vst v2  }
0x292: {  	v2 =	vld [tilespmem:s21+$0x210];
	[tilespmem:s17+$0x280] =	vst v0  }
0x293: {  	v0 =	vld [tilespmem:s25+$0x210];
	_ =	sdelay $0x3  }
0x294: {  	[tilespmem:s15+$0x290] =	vst v2  }
0x295: {  	v2 =	vld [tilespmem:s21+$0x220];
	[tilespmem:s17+$0x290] =	vst v0  }
0x296: {  	v0 =	vld [tilespmem:s25+$0x220];
	_ =	sdelay $0x3  }
0x297: {  	[tilespmem:s15+$0x2A0] =	vst v2  }
0x298: {  	v2 =	vld [tilespmem:s21+$0x230];
	[tilespmem:s17+$0x2A0] =	vst v0  }
0x299: {  	v0 =	vld [tilespmem:s25+$0x230];
	_ =	sdelay $0x3  }
0x29a: {  	[tilespmem:s15+$0x2B0] =	vst v2  }
0x29b: {  	v2 =	vld [tilespmem:s21+$0x240];
	[tilespmem:s17+$0x2B0] =	vst v0  }
0x29c: {  	v0 =	vld [tilespmem:s25+$0x240];
	_ =	sdelay $0x3  }
0x29d: {  	[tilespmem:s15+$0x2C0] =	vst v2  }
0x29e: {  	v2 =	vld [tilespmem:s21+$0x250];
	[tilespmem:s17+$0x2C0] =	vst v0  }
0x29f: {  	v0 =	vld [tilespmem:s25+$0x250];
	_ =	sdelay $0x1  }
0x2a0: {  	(v2sf) =	vpush v1, $0xE;
	_ =	sdelay $0x1  }
0x2a1: {  	[tilespmem:s15+$0x2D0] =	vst v2  }
0x2a2: {  	v2 =	vld [tilespmem:s21+$0x260];
	[tilespmem:s17+$0x2D0] =	vst v0  }
0x2a3: {  	v0 =	vld [tilespmem:s25+$0x260];
	_ =	sdelay $0x3  }
0x2a4: {  	[tilespmem:s15+$0x2E0] =	vst v2  }
0x2a5: {  	v2 =	vld [tilespmem:s21+$0x270];
	[tilespmem:s17+$0x2E0] =	vst v0  }
0x2a6: {  	v0 =	vld [tilespmem:s25+$0x270];
	_ =	sdelay $0x3  }
0x2a7: {  	[tilespmem:s15+$0x2F0] =	vst v2  }
0x2a8: {  	s26 =	spop (v2sf);
	v2 =	vld [tilespmem:s19+$0x200];
	[tilespmem:s17+$0x2F0] =	vst v0  }
0x2a9: {  	v0 =	vld [tilespmem:s26+$0x200];
	_ =	sdelay $0x3  }
0x2aa: {  	[tilespmem:s15+$0x300] =	vst v2  }
0x2ab: {  	v2 =	vld [tilespmem:s19+$0x210];
	[tilespmem:s17+$0x300] =	vst v0  }
0x2ac: {  	v0 =	vld [tilespmem:s26+$0x210];
	_ =	sdelay $0x3  }
0x2ad: {  	[tilespmem:s15+$0x310] =	vst v2  }
0x2ae: {  	v2 =	vld [tilespmem:s19+$0x220];
	[tilespmem:s17+$0x310] =	vst v0  }
0x2af: {  	v0 =	vld [tilespmem:s26+$0x220];
	_ =	sdelay $0x3  }
0x2b0: {  	[tilespmem:s15+$0x320] =	vst v2  }
0x2b1: {  	v2 =	vld [tilespmem:s19+$0x230];
	[tilespmem:s17+$0x320] =	vst v0  }
0x2b2: {  	v0 =	vld [tilespmem:s26+$0x230];
	_ =	sdelay $0x3  }
0x2b3: {  	[tilespmem:s15+$0x330] =	vst v2  }
0x2b4: {  	v2 =	vld [tilespmem:s19+$0x240];
	[tilespmem:s17+$0x330] =	vst v0  }
0x2b5: {  	v0 =	vld [tilespmem:s26+$0x240];
	_ =	sdelay $0x3  }
0x2b6: {  	[tilespmem:s15+$0x340] =	vst v2  }
0x2b7: {  	v2 =	vld [tilespmem:s19+$0x250];
	[tilespmem:s17+$0x340] =	vst v0  }
0x2b8: {  	v0 =	vld [tilespmem:s26+$0x250];
	_ =	sdelay $0x1  }
0x2b9: {  	(v2sf) =	vpush v1, $0xF;
	_ =	sdelay $0x1  }
0x2ba: {  	[tilespmem:s15+$0x350] =	vst v2  }
0x2bb: {  	v63 =	vld [tilespmem:s19+$0x260];
	[tilespmem:s17+$0x350] =	vst v0  }
0x2bc: {  	v0 =	vld [tilespmem:s26+$0x260];
	_ =	sdelay $0x3  }
0x2bd: {  	[tilespmem:s15+$0x360] =	vst v63  }
0x2be: {  	v1 =	vld [tilespmem:s19+$0x270];
	[tilespmem:s17+$0x360] =	vst v0  }
0x2bf: {  	v0 =	vld [tilespmem:s26+$0x270];
	_ =	sdelay $0x3  }
0x2c0: {  	[tilespmem:s15+$0x370] =	vst v1  }
0x2c1: {  	s28 =	spop (v2sf);
	v1 =	vld [tilespmem:s18+$0x200];
	[tilespmem:s17+$0x370] =	vst v0  }
0x2c2: {  	v0 =	vld [tilespmem:s28+$0x200];
	_ =	sdelay $0x3  }
0x2c3: {  	[tilespmem:s15+$0x380] =	vst v1  }
0x2c4: {  	v1 =	vld [tilespmem:s18+$0x210];
	[tilespmem:s17+$0x380] =	vst v0  }
0x2c5: {  	v0 =	vld [tilespmem:s28+$0x210];
	_ =	sdelay $0x3  }
0x2c6: {  	[tilespmem:s15+$0x390] =	vst v1  }
0x2c7: {  	v1 =	vld [tilespmem:s18+$0x220];
	[tilespmem:s17+$0x390] =	vst v0  }
0x2c8: {  	v0 =	vld [tilespmem:s28+$0x220];
	_ =	sdelay $0x3  }
0x2c9: {  	[tilespmem:s15+$0x3A0] =	vst v1  }
0x2ca: {  	v1 =	vld [tilespmem:s18+$0x230];
	[tilespmem:s17+$0x3A0] =	vst v0  }
0x2cb: {  	v0 =	vld [tilespmem:s28+$0x230];
	_ =	sdelay $0x3  }
0x2cc: {  	[tilespmem:s15+$0x3B0] =	vst v1  }
0x2cd: {  	v1 =	vld [tilespmem:s18+$0x240];
	[tilespmem:s17+$0x3B0] =	vst v0  }
0x2ce: {  	v0 =	vld [tilespmem:s28+$0x240];
	_ =	sdelay $0x3  }
0x2cf: {  	[tilespmem:s15+$0x3C0] =	vst v1  }
0x2d0: {  	v1 =	vld [tilespmem:s18+$0x250];
	[tilespmem:s17+$0x3C0] =	vst v0  }
0x2d1: {  	v0 =	vld [tilespmem:s28+$0x250];
	_ =	sdelay $0x3  }
0x2d2: {  	[tilespmem:s15+$0x3D0] =	vst v1  }
0x2d3: {  	v1 =	vld [tilespmem:s18+$0x260];
	[tilespmem:s17+$0x3D0] =	vst v0  }
0x2d4: {  	v0 =	vld [tilespmem:s28+$0x260];
	_ =	sdelay $0x3  }
0x2d5: {  	[tilespmem:s15+$0x3E0] =	vst v1  }
0x2d6: {  	v1 =	vld [tilespmem:s18+$0x270];
	[tilespmem:s17+$0x3E0] =	vst v0  }
0x2d7: {  	s29 =	sshll.u32 s14, $0xD;
	s14 =	sadd.s32 $0x1, s14;
	v0 =	vld [tilespmem:s28+$0x270]  }
0x2d8: {  	p0 =	sne.s32 s14, $0x8  }
.Ltmp1:
0x2d9: {  	_ = 	snop;
	(pc) =	sbr.rel @p0 .LBB2_2-.Ltmp1, $4  }
0x2da: {  	s30 =	sadd.s32 s6, s29  }
0x2db: {  	s13 =	sadd.s32 $0x40, s13;
	s31 =	sshrl.u32 s30, $0x3;
	[tilespmem:s15+$0x3F0] =	vst v1  }
0x2dc: {  	s12 =	sadd.s32 $0x2000, s12;
	s16 =	sor.u32 $0x700, s29;
	s15 =	sadd.s32 s3, s31;
	[tilespmem:s17+$0x3F0] =	vst v0  }
0x2dd: {  	[hbm4b:s15+s4] =	stream.linear.scatter [tilespmem:s16], [sflag:$0x1], $0x2000, $0x38;
	[tilespmem:$0x10700] =	vst v63  }
0x2de: {  	_ =	swait.ge [sflag:s10], $0x2000  }
0x2df: {  	[sflag:s10] =	ssyncset.done $0x0  }
0x2e0: {  	[sflag:s10] =	ssyncadd.s32 $0xFFFFE000  }
0x2e1: {  	_ =	swait.ge [sflag:s10], $0x2000  }
0x2e2: {  	[sflag:s10] =	ssyncset.done $0x0  }
0x2e3: {  	[sflag:s10] =	ssyncadd.s32 $0xFFFFE000  }
0x2e4: {  	_ =	swait.ge [sflag:s10], $0x2000  }
0x2e5: {  	[sflag:s10] =	ssyncset.done $0x0  }
0x2e6: {  	[sflag:s10] =	ssyncadd.s32 $0xFFFFE000  }
0x2e7: {  	_ =	swait.ge [sflag:s10], $0x2000  }
0x2e8: {  	[sflag:s10] =	ssyncset.done $0x0  }
0x2e9: {  	[sflag:s10] =	ssyncadd.s32 $0xFFFFE000  }
0x2ea: {  	_ =	swait.ge [sflag:s10], $0x2000  }
0x2eb: {  	[sflag:s10] =	ssyncset.done $0x0  }
0x2ec: {  	[sflag:s10] =	ssyncadd.s32 $0xFFFFE000  }
0x2ed: {  	_ =	swait.ge [sflag:s10], $0x2000  }
0x2ee: {  	[sflag:s10] =	ssyncset.done $0x0  }
0x2ef: {  	s11 =	sadd.s32 $0x1, s11;
	[sflag:s10] =	ssyncadd.s32 $0xFFFFE000  }
0x2f0: {  	p0 =	sne.s32 s11, s7;
	_ =	swait.ge [sflag:s10], $0x2000  }
.Ltmp2:
0x2f1: {  	[sflag:s10] =	ssyncset.done $0x0;
	(pc) =	sbr.rel @p0 .LBB2_1-.Ltmp2, $4  }
0x2f2: {  	[sflag:s10] =	ssyncadd.s32 $0xFFFFE000  }
0x2f3: {  	_ =	swait.ge [sflag:s10], $0x2000  }
0x2f4: {  	[sflag:s10] =	ssyncset.done $0x0  }
0x2f5: {  	[sflag:s10] =	ssyncadd.s32 $0xFFFFE000  }
0x2f6: {  	_ =	sfence.sel $0x180000  }
0x2f7: {  	[bflag:$0x0] =	sbarrier.arrive $0xFFFF  }
0x2f8: {  	p0 =	sne.s32 s1, $0x0;
	_ =	strace $0x90000047  }
0x2f9: {  	s0 =	sadd.s32 @!p0 $0x100000, s0;
	[bflag:$0x2] =	sbarrier.arrive $0xFFFF  }
0x2fa: {  	[sflag:s0] =	ssyncadd.tile.s32 @!p0 $0x1;
	_ =	shalt  }
.Lfunc_end2:
_tile_overlayer_lowered:
.L_overlay_start_2:
0x2fb: {  	(tag) =	ssettag $0x2  }
0x2fc: {  	s0 =	rddreg [dreg:$0x0];
	s2 =	stileid.u32  }
0x2fd: {  	s1 =	rddreg [dreg:$0x1];
	p0 =	sne.s32 s2, $0x0  }
0x2fe: {  	s3 =	rddreg [dreg:$0x2];
	[bflag:$0x3] =	sbarrier.arrive $0xFFFF;
	s2 =	simm.s32 @!p0 $0x1C02  }
0x2ff: {  	[timem:s3], [sflag:s2] =	dma.local @!p0 [hbm:s0], s1  }
0x300: {  	s0 =	simm.s32 @!p0 $0x2  }
0x301: {  	_ =	swait.ge @!p0 [sflag:s0], s1  }
0x302: {  	s1 =	ssub.s32 @!p0 $0x0, s1;
	[sflag:s0] =	ssyncset.done @!p0 $0x0  }
0x303: {  	[sflag:s0] =	ssyncadd.s32 @!p0 s1  }
0x304: {  	[bflag:$0x3] =	sbarrier.arrive $0xFFFF  }
0x305: {  	_ =	shalt  }

</sc_bundles>
